<compile_context>
chip_gen: v7x
topology: tpu7x:2x2x1
jax: 0.10.2.dev20260603
libtpu: 0.0.44.dev20260713+nightly
codegen_flags: <defaults>
</compile_context>

<pallas_src>
import jax
import jax.numpy as jnp
from jax import lax
from jax.experimental import pallas as pl
from jax.experimental.pallas import tpu as pltpu
from jax.experimental.pallas import tpu_sc as plsc

B, N, L, K = 4, 2048, 256, 16
ROWS = 1024

NC, NS, LN = 2, 16, 16
NW = NC * NS
WPB = NW // B
RPW = N // WPB
GRP = RPW // LN


def _scores_body(x_ref, wa_ref, ba_ref, wb_ref, bb_ref, wc_ref, bc_ref, out_ref):
    xb = x_ref[0]
    a = jnp.tanh(jnp.dot(xb, wa_ref[...], preferred_element_type=jnp.float32)
                 + ba_ref[...][None, :])
    b = jax.nn.sigmoid(jnp.dot(xb, wb_ref[...], preferred_element_type=jnp.float32)
                       + bb_ref[...][None, :])
    logits = (jnp.dot(a * b, wc_ref[...], preferred_element_type=jnp.float32)
              + bc_ref[...][None, :])
    m = jnp.max(logits, axis=0, keepdims=True)
    e = jnp.exp(logits - m)
    s = jnp.sum(e, axis=0, keepdims=True)
    out_ref[...] = (e / s)[None]


def _ranks_body(acol_ref, arow_ref, rank_ref, rse_ref):
    ac = acol_ref[0]
    aa = arow_ref[0]
    t = pl.program_id(1)
    jj = lax.broadcasted_iota(jnp.int32, (ROWS, N), 1)
    ii = lax.broadcasted_iota(jnp.int32, (ROWS, N), 0) + t * ROWS
    eq = aa == ac
    lt = (aa < ac).astype(jnp.int32)
    eq_lt = (eq & (jj < ii)).astype(jnp.int32)
    lt_sum = jnp.sum(lt, axis=1)
    eq_sum = jnp.sum(eq.astype(jnp.int32), axis=1)
    eqlt_sum = jnp.sum(eq_lt, axis=1)
    rank_ref[0] = (lt_sum + eqlt_sum)[:, None]
    rse_ref[0] = (lt_sum * 4096 + (lt_sum + eq_sum - 1))[:, None]


def _sc_knn_body(vals_hbm, ranks_hbm, rse_hbm, out_hbm,
                 vals_v, ranks_v, rse_src_v,
                 sval_v, sidx_v, srse_v, otile_v):
    cid = lax.axis_index("c")
    sid = lax.axis_index("s")
    wid = sid * NC + cid
    b = lax.rem(wid, B)
    seg = lax.div(wid, B)

    pltpu.sync_copy(vals_hbm.at[pl.ds(b * N, N)], vals_v)
    pltpu.sync_copy(ranks_hbm.at[pl.ds(b * N, N)], ranks_v)
    pltpu.sync_copy(rse_hbm.at[pl.ds(b * N, N)], rse_src_v)

    def scat_body(i, carry):
        r = ranks_v[pl.ds(i * LN, LN)]
        idx = lax.iota(jnp.int32, LN) + i * LN
        plsc.store_scatter(sval_v, [r], vals_v[pl.ds(i * LN, LN)])
        plsc.store_scatter(sidx_v, [r], idx)
        plsc.store_scatter(srse_v, [r], rse_src_v[pl.ds(i * LN, LN)])
        return carry

    lax.fori_loop(0, N // LN, scat_body, 0)

    lane = lax.iota(jnp.int32, LN)
    inf = jnp.full((LN,), jnp.inf, jnp.float32)

    def grp_body(g, carry):
        base = seg * RPW + g * LN
        vi = vals_v[pl.ds(base, LN)]
        p = ranks_v[pl.ds(base, LN)]
        l = p
        h = p + 1
        for t in range(K):
            lvalid = l >= 0
            hvalid = h < N
            lc = jnp.maximum(l, 0)
            hc = jnp.minimum(h, N - 1)
            vl = plsc.load_gather(sval_v, [lc])
            vh = plsc.load_gather(sval_v, [hc])
            dl = jnp.where(lvalid, jnp.abs(vi - vl), inf)
            dh = jnp.where(hvalid, jnp.abs(vi - vh), inf)
            rse_l = plsc.load_gather(srse_v, [lc])
            rs_l = jnp.right_shift(rse_l, 12)
            re_l = jnp.bitwise_and(rse_l, 4095)
            eff = rs_l + (jnp.minimum(re_l, p) - lc)
            il = plsc.load_gather(sidx_v, [eff])
            ih = plsc.load_gather(sidx_v, [hc])
            pick_l = (dl < dh) | ((dl == dh) & (il < ih))
            picked = jnp.where(pick_l, il, ih)
            plsc.store_scatter(otile_v, [lane * K + t], picked)
            l = jnp.where(pick_l, l - 1, l)
            h = jnp.where(pick_l, h, h + 1)
        pltpu.sync_copy(otile_v, out_hbm.at[pl.ds((b * N + base) * K, LN * K)])
        return carry

    lax.fori_loop(0, GRP, grp_body, 0)


@jax.jit
def kernel(x, Wa, ba, Wb, bb, Wc, bc):
    scores = pl.pallas_call(
        _scores_body,
        grid=(B,),
        in_specs=[
            pl.BlockSpec((1, N, L), lambda b: (b, 0, 0)),
            pl.BlockSpec((L, L), lambda b: (0, 0)),
            pl.BlockSpec((L,), lambda b: (0,)),
            pl.BlockSpec((L, L), lambda b: (0, 0)),
            pl.BlockSpec((L,), lambda b: (0,)),
            pl.BlockSpec((L, 1), lambda b: (0, 0)),
            pl.BlockSpec((1,), lambda b: (0,)),
        ],
        out_specs=pl.BlockSpec((1, N, 1), lambda b: (b, 0, 0)),
        out_shape=jax.ShapeDtypeStruct((B, N, 1), jnp.float32),
    )(x, Wa, ba, Wb, bb, Wc, bc)

    a_col = scores
    a_row = scores.reshape(B, 1, N)

    ranks, run_se = pl.pallas_call(
        _ranks_body,
        grid=(B, N // ROWS),
        in_specs=[
            pl.BlockSpec((1, ROWS, 1), lambda b, t: (b, t, 0)),
            pl.BlockSpec((1, 1, N), lambda b, t: (b, 0, 0)),
        ],
        out_specs=[
            pl.BlockSpec((1, ROWS, 1), lambda b, t: (b, t, 0)),
            pl.BlockSpec((1, ROWS, 1), lambda b, t: (b, t, 0)),
        ],
        out_shape=[
            jax.ShapeDtypeStruct((B, N, 1), jnp.int32),
            jax.ShapeDtypeStruct((B, N, 1), jnp.int32),
        ],
    )(a_col, a_row)

    sc_knn = pl.kernel(
        _sc_knn_body,
        out_type=jax.ShapeDtypeStruct((B * N * K,), jnp.int32),
        mesh=plsc.VectorSubcoreMesh(core_axis_name="c", subcore_axis_name="s"),
        compiler_params=pltpu.CompilerParams(needs_layout_passes=False),
        scratch_types=[
            pltpu.VMEM((N,), jnp.float32),
            pltpu.VMEM((N,), jnp.int32),
            pltpu.VMEM((N,), jnp.int32),
            pltpu.VMEM((N,), jnp.float32),
            pltpu.VMEM((N,), jnp.int32),
            pltpu.VMEM((N,), jnp.int32),
            pltpu.VMEM((LN * K,), jnp.int32),
        ],
    )
    nn_flat = sc_knn(scores.reshape(B * N), ranks.reshape(B * N),
                     run_se.reshape(B * N))

    nn_idx = nn_flat.reshape(B, N, K)
    center_idx = jnp.broadcast_to(
        jnp.arange(N, dtype=nn_idx.dtype)[None, :, None], (B, N, K))
    return jnp.stack((nn_idx, center_idx), axis=0)

# --- scband reference (transcript-rebuilt; emitter-appended) ---
"""Pipeline reference for scband-atten-matrix-74002286510480 (READ-ONLY COPY).

The authoritative reference and input builder live on the scoring server;
editing this copy changes nothing except your own understanding.
"""

import jax, jax.numpy as jnp
import numpy as np


def setup_inputs(seed: int = 0) -> dict:
    key = jax.random.key(seed)
    ks = jax.random.split(key, 7)
    B, N, L = 4, 2048, 256
    x = jax.random.normal(ks[0], (B, N, L), dtype=jnp.float32)
    s = 1.0 / np.sqrt(L)
    Wa = jax.random.uniform(ks[1], (L, L), minval=-s, maxval=s, dtype=jnp.float32)
    ba = jax.random.uniform(ks[2], (L,), minval=-s, maxval=s, dtype=jnp.float32)
    Wb = jax.random.uniform(ks[3], (L, L), minval=-s, maxval=s, dtype=jnp.float32)
    bb = jax.random.uniform(ks[4], (L,), minval=-s, maxval=s, dtype=jnp.float32)
    Wc = jax.random.uniform(ks[5], (L, 1), minval=-s, maxval=s, dtype=jnp.float32)
    bc = jax.random.uniform(ks[6], (1,), minval=-s, maxval=s, dtype=jnp.float32)
    return {"x": x, "Wa": Wa, "ba": ba, "Wb": Wb, "bb": bb, "Wc": Wc, "bc": bc}


def reference(x, Wa, ba, Wb, bb, Wc, bc):
    k = 16
    B, N, D = x.shape
    # Attn_Net_Gated
    a = jnp.tanh(x @ Wa + ba)
    b = jax.nn.sigmoid(x @ Wb + bb)
    A = (a * b) @ Wc + bc  # [B, N, 1]
    # softmax over points axis (dim=1)
    A = jax.nn.softmax(A, axis=1)
    # torch.cdist(A, A, p=2) over last dim (size 1)
    diff = A[:, :, None, :] - A[:, None, :, :]  # [B, N, N, 1]
    dist = jnp.sqrt(jnp.maximum(jnp.sum(diff * diff, axis=-1), 0.0))  # [B, N, N]
    # topk smallest -> top_k of negated distances
    _, nn_idx = jax.lax.top_k(-dist, k)  # [B, N, k]
    center_idx = jnp.broadcast_to(
        jnp.arange(N, dtype=nn_idx.dtype)[None, :, None], (B, N, k)
    )
    return jnp.stack((nn_idx, center_idx), axis=0)  # [2, B, N, k]

if __name__ == "__main__":
    import jax
    _d = setup_inputs()
    print(jax.jit(kernel)(*tuple(_d.values())))

</pallas_src>

<mosaic_0001>
#map = affine_map<(d0, d1) -> (0)>
module attributes {stable_mosaic.version = 14 : i64} {
  func.func @_sc_knn_body(%arg0: i32, %arg1: i32, %arg2: memref<8192xf32, #tpu.memory_space<hbm>>, %arg3: memref<8192xi32, #tpu.memory_space<hbm>>, %arg4: memref<8192xi32, #tpu.memory_space<hbm>>, %arg5: memref<131072xi32, #tpu.memory_space<hbm>>, %arg6: memref<2048xf32, #tpu.memory_space<vmem>>, %arg7: memref<2048xi32, #tpu.memory_space<vmem>>, %arg8: memref<2048xi32, #tpu.memory_space<vmem>>, %arg9: memref<2048xf32, #tpu.memory_space<vmem>>, %arg10: memref<2048xi32, #tpu.memory_space<vmem>>, %arg11: memref<2048xi32, #tpu.memory_space<vmem>>, %arg12: memref<256xi32, #tpu.memory_space<vmem>>) attributes {dimension_semantics = [#tpu.dimension_semantics<core_parallel>, #tpu.dimension_semantics<subcore_parallel>], iteration_bounds = array<i64: 2, 16>, scalar_prefetch = 0 : i64, scratch_operands = 7 : i64, tpu.core_type = #tpu.core_type<sc_vector_subcore>, window_params = [{transform_indices = #map}, {transform_indices = #map}, {transform_indices = #map}, {transform_indices = #map}]} {
    %mul3A = arith.constant 2 : i32
    %mul3A_0 = arith.muli %arg1, %mul3A : i32
    %add3A = arith.addi %mul3A_0, %arg0 : i32
    %rem3A = arith.constant 4 : i32
    %rem3A_1 = arith.remsi %add3A, %rem3A : i32
    %div3A = arith.constant 4 : i32
    %div3A_2 = arith.divsi %add3A, %div3A : i32
    %mul3A_3 = arith.constant 2048 : i32
    %mul3A_4 = arith.muli %rem3A_1, %mul3A_3 : i32
    "tpu.region"() ({
      %run_scoped3A = tpu.sem_alloc : memref<!tpu.dma_semaphore, #tpu.memory_space<semaphore_mem>>
      %dma_start3A = tpu.memref_slice %arg2[%mul3A_4] : memref<8192xf32, #tpu.memory_space<hbm>> -> memref<2048xf32, #tpu.memory_space<hbm>>
      %dma_start3A_21 = tpu.memref_slice %arg2[%mul3A_4] : memref<8192xf32, #tpu.memory_space<hbm>> -> memref<2048xf32, #tpu.memory_space<hbm>>
      tpu.enqueue_dma source(%dma_start3A_21 : memref<2048xf32, #tpu.memory_space<hbm>>) target(%arg6 : memref<2048xf32, #tpu.memory_space<vmem>>) target_semaphore(%run_scoped3A : memref<!tpu.dma_semaphore, #tpu.memory_space<semaphore_mem>>)
      %dma_wait3A = tpu.memref_slice %arg2[%mul3A_4] : memref<8192xf32, #tpu.memory_space<hbm>> -> memref<2048xf32, #tpu.memory_space<hbm>>
      %dma_wait3A_22 = tpu.memref_slice %arg2[%mul3A_4] : memref<8192xf32, #tpu.memory_space<hbm>> -> memref<2048xf32, #tpu.memory_space<hbm>>
      tpu.wait_dma2 semaphore(%run_scoped3A : memref<!tpu.dma_semaphore, #tpu.memory_space<semaphore_mem>>) src(%dma_wait3A_22 : memref<2048xf32, #tpu.memory_space<hbm>>) dst(%arg6 : memref<2048xf32, #tpu.memory_space<vmem>>)
      tpu.yield
    }) : () -> ()
    %mul3A_5 = arith.constant 2048 : i32
    %mul3A_6 = arith.muli %rem3A_1, %mul3A_5 : i32
    "tpu.region"() ({
      %run_scoped3A = tpu.sem_alloc : memref<!tpu.dma_semaphore, #tpu.memory_space<semaphore_mem>>
      %dma_start3A = tpu.memref_slice %arg3[%mul3A_6] : memref<8192xi32, #tpu.memory_space<hbm>> -> memref<2048xi32, #tpu.memory_space<hbm>>
      %dma_start3A_21 = tpu.memref_slice %arg3[%mul3A_6] : memref<8192xi32, #tpu.memory_space<hbm>> -> memref<2048xi32, #tpu.memory_space<hbm>>
      tpu.enqueue_dma source(%dma_start3A_21 : memref<2048xi32, #tpu.memory_space<hbm>>) target(%arg7 : memref<2048xi32, #tpu.memory_space<vmem>>) target_semaphore(%run_scoped3A : memref<!tpu.dma_semaphore, #tpu.memory_space<semaphore_mem>>)
      %dma_wait3A = tpu.memref_slice %arg3[%mul3A_6] : memref<8192xi32, #tpu.memory_space<hbm>> -> memref<2048xi32, #tpu.memory_space<hbm>>
      %dma_wait3A_22 = tpu.memref_slice %arg3[%mul3A_6] : memref<8192xi32, #tpu.memory_space<hbm>> -> memref<2048xi32, #tpu.memory_space<hbm>>
      tpu.wait_dma2 semaphore(%run_scoped3A : memref<!tpu.dma_semaphore, #tpu.memory_space<semaphore_mem>>) src(%dma_wait3A_22 : memref<2048xi32, #tpu.memory_space<hbm>>) dst(%arg7 : memref<2048xi32, #tpu.memory_space<vmem>>)
      tpu.yield
    }) : () -> ()
    %mul3A_7 = arith.constant 2048 : i32
    %mul3A_8 = arith.muli %rem3A_1, %mul3A_7 : i32
    "tpu.region"() ({
      %run_scoped3A = tpu.sem_alloc : memref<!tpu.dma_semaphore, #tpu.memory_space<semaphore_mem>>
      %dma_start3A = tpu.memref_slice %arg4[%mul3A_8] : memref<8192xi32, #tpu.memory_space<hbm>> -> memref<2048xi32, #tpu.memory_space<hbm>>
      %dma_start3A_21 = tpu.memref_slice %arg4[%mul3A_8] : memref<8192xi32, #tpu.memory_space<hbm>> -> memref<2048xi32, #tpu.memory_space<hbm>>
      tpu.enqueue_dma source(%dma_start3A_21 : memref<2048xi32, #tpu.memory_space<hbm>>) target(%arg8 : memref<2048xi32, #tpu.memory_space<vmem>>) target_semaphore(%run_scoped3A : memref<!tpu.dma_semaphore, #tpu.memory_space<semaphore_mem>>)
      %dma_wait3A = tpu.memref_slice %arg4[%mul3A_8] : memref<8192xi32, #tpu.memory_space<hbm>> -> memref<2048xi32, #tpu.memory_space<hbm>>
      %dma_wait3A_22 = tpu.memref_slice %arg4[%mul3A_8] : memref<8192xi32, #tpu.memory_space<hbm>> -> memref<2048xi32, #tpu.memory_space<hbm>>
      tpu.wait_dma2 semaphore(%run_scoped3A : memref<!tpu.dma_semaphore, #tpu.memory_space<semaphore_mem>>) src(%dma_wait3A_22 : memref<2048xi32, #tpu.memory_space<hbm>>) dst(%arg8 : memref<2048xi32, #tpu.memory_space<vmem>>)
      tpu.yield
    }) : () -> ()
    %scan3A = arith.constant 0 : i32
    %scan3A_9 = arith.constant 0 : i32
    %scan3A_10 = arith.constant 128 : i32
    %scan3A_11 = arith.addi %scan3A_9, %scan3A_10 : i32
    %scan3A_12 = arith.constant 1 : i32
    scf.for %scan3A_21 = %scan3A_9 to %scan3A_11 step %scan3A_12  : i32 {
      %mul3A_22 = arith.constant 16 : i32
      %mul3A_23 = arith.muli %scan3A_21, %mul3A_22 : i32
      %get3A = arith.index_cast %mul3A_23 : i32 to index
      %get3A_24 = tpu.vector_load %arg7[%get3A] {strides = array<i32>} : memref<2048xi32, #tpu.memory_space<vmem>>, vector<16xi32>,
      %iota3A_25 = tpu.iota {dimensions = array<i32: 0>} : vector<16xi32>
      %mul3A_26 = arith.constant 16 : i32
      %mul3A_27 = arith.muli %scan3A_21, %mul3A_26 : i32
      %add3A_28 = vector.broadcast %mul3A_27 : i32 to vector<16xi32>
      %add3A_29 = arith.addi %iota3A_25, %add3A_28 : vector<16xi32>
      %mul3A_30 = arith.constant 16 : i32
      %mul3A_31 = arith.muli %scan3A_21, %mul3A_30 : i32
      %get3A_32 = arith.index_cast %mul3A_31 : i32 to index
      %get3A_33 = tpu.vector_load %arg6[%get3A_32] {strides = array<i32>} : memref<2048xf32, #tpu.memory_space<vmem>>, vector<16xf32>,
      tpu.vector_store_idx %arg9[%get3A_24], %get3A_33 : memref<2048xf32, #tpu.memory_space<vmem>>[vector<16xi32>], vector<16xf32>,
      tpu.vector_store_idx %arg10[%get3A_24], %add3A_29 : memref<2048xi32, #tpu.memory_space<vmem>>[vector<16xi32>], vector<16xi32>,
      %mul3A_34 = arith.constant 16 : i32
      %mul3A_35 = arith.muli %scan3A_21, %mul3A_34 : i32
      %get3A_36 = arith.index_cast %mul3A_35 : i32 to index
      %get3A_37 = tpu.vector_load %arg8[%get3A_36] {strides = array<i32>} : memref<2048xi32, #tpu.memory_space<vmem>>, vector<16xi32>,
      tpu.vector_store_idx %arg11[%get3A_24], %get3A_37 : memref<2048xi32, #tpu.memory_space<vmem>>[vector<16xi32>], vector<16xi32>,
    }
    %scan3A_13 = arith.constant 128 : i32
    %iota3A = tpu.iota {dimensions = array<i32: 0>} : vector<16xi32>
    %broadcast_in_dim3A = arith.constant 0x7F800000 : f32
    %broadcast_in_dim3A_14 = vector.broadcast %broadcast_in_dim3A : f32 to vector<16xf32>
    %scan3A_15 = arith.constant 0 : i32
    %scan3A_16 = arith.constant 0 : i32
    %scan3A_17 = arith.constant 16 : i32
    %scan3A_18 = arith.addi %scan3A_16, %scan3A_17 : i32
    %scan3A_19 = arith.constant 1 : i32
    scf.for %scan3A_21 = %scan3A_16 to %scan3A_18 step %scan3A_19  : i32 {
      %mul3A_22 = arith.constant 256 : i32
      %mul3A_23 = arith.muli %div3A_2, %mul3A_22 : i32
      %mul3A_24 = arith.constant 16 : i32
      %mul3A_25 = arith.muli %scan3A_21, %mul3A_24 : i32
      %add3A_26 = arith.addi %mul3A_23, %mul3A_25 : i32
      %get3A = arith.index_cast %add3A_26 : i32 to index
      %get3A_27 = tpu.vector_load %arg6[%get3A] {strides = array<i32>} : memref<2048xf32, #tpu.memory_space<vmem>>, vector<16xf32>,
      %get3A_28 = arith.index_cast %add3A_26 : i32 to index
      %get3A_29 = tpu.vector_load %arg7[%get3A_28] {strides = array<i32>} : memref<2048xi32, #tpu.memory_space<vmem>>, vector<16xi32>,
      %add3A_30 = arith.constant 1 : i32
      %add3A_31 = vector.broadcast %add3A_30 : i32 to vector<16xi32>
      %add3A_32 = arith.addi %get3A_29, %add3A_31 : vector<16xi32>
      %ge3A = arith.constant 0 : i32
      %ge3A_33 = vector.broadcast %ge3A : i32 to vector<16xi32>
      %ge3A_34 = arith.cmpi sge, %get3A_29, %ge3A_33 : vector<16xi32>
      %lt3A = arith.constant 2048 : i32
      %lt3A_35 = vector.broadcast %lt3A : i32 to vector<16xi32>
      %lt3A_36 = arith.cmpi slt, %add3A_32, %lt3A_35 : vector<16xi32>
      %max3A = arith.constant 0 : i32
      %max3A_37 = vector.broadcast %max3A : i32 to vector<16xi32>
      %max3A_38 = arith.maxsi %get3A_29, %max3A_37 : vector<16xi32>
      %min3A = arith.constant 2047 : i32
      %min3A_39 = vector.broadcast %min3A : i32 to vector<16xi32>
      %min3A_40 = arith.minsi %add3A_32, %min3A_39 : vector<16xi32>
      %gather3A = tpu.vector_load_idx %arg9[%max3A_38] : memref<2048xf32, #tpu.memory_space<vmem>>[vector<16xi32>], vector<16xf32>,
      %gather3A_41 = tpu.vector_load_idx %arg9[%min3A_40] : memref<2048xf32, #tpu.memory_space<vmem>>[vector<16xi32>], vector<16xf32>,
      %sub3A = arith.subf %get3A_27, %gather3A : vector<16xf32>
      %abs3A = math.absf %sub3A : vector<16xf32>
      %select_n3A = arith.select %ge3A_34, %abs3A, %broadcast_in_dim3A_14 : vector<16xi1>, vector<16xf32>
      %sub3A_42 = arith.subf %get3A_27, %gather3A_41 : vector<16xf32>
      %abs3A_43 = math.absf %sub3A_42 : vector<16xf32>
      %select_n3A_44 = arith.select %lt3A_36, %abs3A_43, %broadcast_in_dim3A_14 : vector<16xi1>, vector<16xf32>
      %gather3A_45 = tpu.vector_load_idx %arg11[%max3A_38] : memref<2048xi32, #tpu.memory_space<vmem>>[vector<16xi32>], vector<16xi32>,
      %shift_right_arithmetic3A = arith.constant 12 : i32
      %shift_right_arithmetic3A_46 = vector.broadcast %shift_right_arithmetic3A : i32 to vector<16xi32>
      %shift_right_arithmetic3A_47 = arith.shrsi %gather3A_45, %shift_right_arithmetic3A_46 : vector<16xi32>
      %and3A = arith.constant 4095 : i32
      %and3A_48 = vector.broadcast %and3A : i32 to vector<16xi32>
      %and3A_49 = arith.andi %gather3A_45, %and3A_48 : vector<16xi32>
      %min3A_50 = arith.minsi %and3A_49, %get3A_29 : vector<16xi32>
      %sub3A_51 = arith.subi %min3A_50, %max3A_38 : vector<16xi32>
      %add3A_52 = arith.addi %shift_right_arithmetic3A_47, %sub3A_51 : vector<16xi32>
      %gather3A_53 = tpu.vector_load_idx %arg10[%add3A_52] : memref<2048xi32, #tpu.memory_space<vmem>>[vector<16xi32>], vector<16xi32>,
      %gather3A_54 = tpu.vector_load_idx %arg10[%min3A_40] : memref<2048xi32, #tpu.memory_space<vmem>>[vector<16xi32>], vector<16xi32>,
      %lt3A_55 = arith.cmpf olt, %select_n3A, %select_n3A_44 : vector<16xf32>
      %eq3A = arith.cmpf oeq, %select_n3A, %select_n3A_44 : vector<16xf32>
      %lt3A_56 = arith.cmpi slt, %gather3A_53, %gather3A_54 : vector<16xi32>
      %and3A_57 = arith.andi %eq3A, %lt3A_56 : vector<16xi1>
      %or3A = arith.ori %lt3A_55, %and3A_57 : vector<16xi1>
      %select_n3A_58 = arith.select %or3A, %gather3A_53, %gather3A_54 : vector<16xi1>, vector<16xi32>
      %mul3A_59 = arith.constant 16 : i32
      %mul3A_60 = vector.broadcast %mul3A_59 : i32 to vector<16xi32>
      %mul3A_61 = arith.muli %iota3A, %mul3A_60 : vector<16xi32>
      %add3A_62 = arith.constant 0 : i32
      %add3A_63 = vector.broadcast %add3A_62 : i32 to vector<16xi32>
      %add3A_64 = arith.addi %mul3A_61, %add3A_63 : vector<16xi32>
      tpu.vector_store_idx %arg12[%add3A_64], %select_n3A_58 : memref<256xi32, #tpu.memory_space<vmem>>[vector<16xi32>], vector<16xi32>,
      %sub3A_65 = arith.constant 1 : i32
      %sub3A_66 = vector.broadcast %sub3A_65 : i32 to vector<16xi32>
      %sub3A_67 = arith.subi %get3A_29, %sub3A_66 : vector<16xi32>
      %select_n3A_68 = arith.select %or3A, %sub3A_67, %get3A_29 : vector<16xi1>, vector<16xi32>
      %add3A_69 = arith.constant 1 : i32
      %add3A_70 = vector.broadcast %add3A_69 : i32 to vector<16xi32>
      %add3A_71 = arith.addi %add3A_32, %add3A_70 : vector<16xi32>
      %select_n3A_72 = arith.select %or3A, %add3A_32, %add3A_71 : vector<16xi1>, vector<16xi32>
      %ge3A_73 = arith.constant 0 : i32
      %ge3A_74 = vector.broadcast %ge3A_73 : i32 to vector<16xi32>
      %ge3A_75 = arith.cmpi sge, %select_n3A_68, %ge3A_74 : vector<16xi32>
      %lt3A_76 = arith.constant 2048 : i32
      %lt3A_77 = vector.broadcast %lt3A_76 : i32 to vector<16xi32>
      %lt3A_78 = arith.cmpi slt, %select_n3A_72, %lt3A_77 : vector<16xi32>
      %max3A_79 = arith.constant 0 : i32
      %max3A_80 = vector.broadcast %max3A_79 : i32 to vector<16xi32>
      %max3A_81 = arith.maxsi %select_n3A_68, %max3A_80 : vector<16xi32>
      %min3A_82 = arith.constant 2047 : i32
      %min3A_83 = vector.broadcast %min3A_82 : i32 to vector<16xi32>
      %min3A_84 = arith.minsi %select_n3A_72, %min3A_83 : vector<16xi32>
      %gather3A_85 = tpu.vector_load_idx %arg9[%max3A_81] : memref<2048xf32, #tpu.memory_space<vmem>>[vector<16xi32>], vector<16xf32>,
      %gather3A_86 = tpu.vector_load_idx %arg9[%min3A_84] : memref<2048xf32, #tpu.memory_space<vmem>>[vector<16xi32>], vector<16xf32>,
      %sub3A_87 = arith.subf %get3A_27, %gather3A_85 : vector<16xf32>
      %abs3A_88 = math.absf %sub3A_87 : vector<16xf32>
      %select_n3A_89 = arith.select %ge3A_75, %abs3A_88, %broadcast_in_dim3A_14 : vector<16xi1>, vector<16xf32>
      %sub3A_90 = arith.subf %get3A_27, %gather3A_86 : vector<16xf32>
      %abs3A_91 = math.absf %sub3A_90 : vector<16xf32>
      %select_n3A_92 = arith.select %lt3A_78, %abs3A_91, %broadcast_in_dim3A_14 : vector<16xi1>, vector<16xf32>
      %gather3A_93 = tpu.vector_load_idx %arg11[%max3A_81] : memref<2048xi32, #tpu.memory_space<vmem>>[vector<16xi32>], vector<16xi32>,
      %shift_right_arithmetic3A_94 = arith.constant 12 : i32
      %shift_right_arithmetic3A_95 = vector.broadcast %shift_right_arithmetic3A_94 : i32 to vector<16xi32>
      %shift_right_arithmetic3A_96 = arith.shrsi %gather3A_93, %shift_right_arithmetic3A_95 : vector<16xi32>
      %and3A_97 = arith.constant 4095 : i32
      %and3A_98 = vector.broadcast %and3A_97 : i32 to vector<16xi32>
      %and3A_99 = arith.andi %gather3A_93, %and3A_98 : vector<16xi32>
      %min3A_100 = arith.minsi %and3A_99, %get3A_29 : vector<16xi32>
      %sub3A_101 = arith.subi %min3A_100, %max3A_81 : vector<16xi32>
      %add3A_102 = arith.addi %shift_right_arithmetic3A_96, %sub3A_101 : vector<16xi32>
      %gather3A_103 = tpu.vector_load_idx %arg10[%add3A_102] : memref<2048xi32, #tpu.memory_space<vmem>>[vector<16xi32>], vector<16xi32>,
      %gather3A_104 = tpu.vector_load_idx %arg10[%min3A_84] : memref<2048xi32, #tpu.memory_space<vmem>>[vector<16xi32>], vector<16xi32>,
      %lt3A_105 = arith.cmpf olt, %select_n3A_89, %select_n3A_92 : vector<16xf32>
      %eq3A_106 = arith.cmpf oeq, %select_n3A_89, %select_n3A_92 : vector<16xf32>
      %lt3A_107 = arith.cmpi slt, %gather3A_103, %gather3A_104 : vector<16xi32>
      %and3A_108 = arith.andi %eq3A_106, %lt3A_107 : vector<16xi1>
      %or3A_109 = arith.ori %lt3A_105, %and3A_108 : vector<16xi1>
      %select_n3A_110 = arith.select %or3A_109, %gather3A_103, %gather3A_104 : vector<16xi1>, vector<16xi32>
      %mul3A_111 = arith.constant 16 : i32
      %mul3A_112 = vector.broadcast %mul3A_111 : i32 to vector<16xi32>
      %mul3A_113 = arith.muli %iota3A, %mul3A_112 : vector<16xi32>
      %add3A_114 = arith.constant 1 : i32
      %add3A_115 = vector.broadcast %add3A_114 : i32 to vector<16xi32>
      %add3A_116 = arith.addi %mul3A_113, %add3A_115 : vector<16xi32>
      tpu.vector_store_idx %arg12[%add3A_116], %select_n3A_110 : memref<256xi32, #tpu.memory_space<vmem>>[vector<16xi32>], vector<16xi32>,
      %sub3A_117 = arith.constant 1 : i32
      %sub3A_118 = vector.broadcast %sub3A_117 : i32 to vector<16xi32>
      %sub3A_119 = arith.subi %select_n3A_68, %sub3A_118 : vector<16xi32>
      %select_n3A_120 = arith.select %or3A_109, %sub3A_119, %select_n3A_68 : vector<16xi1>, vector<16xi32>
      %add3A_121 = arith.constant 1 : i32
      %add3A_122 = vector.broadcast %add3A_121 : i32 to vector<16xi32>
      %add3A_123 = arith.addi %select_n3A_72, %add3A_122 : vector<16xi32>
      %select_n3A_124 = arith.select %or3A_109, %select_n3A_72, %add3A_123 : vector<16xi1>, vector<16xi32>
      %ge3A_125 = arith.constant 0 : i32
      %ge3A_126 = vector.broadcast %ge3A_125 : i32 to vector<16xi32>
      %ge3A_127 = arith.cmpi sge, %select_n3A_120, %ge3A_126 : vector<16xi32>
      %lt3A_128 = arith.constant 2048 : i32
      %lt3A_129 = vector.broadcast %lt3A_128 : i32 to vector<16xi32>
      %lt3A_130 = arith.cmpi slt, %select_n3A_124, %lt3A_129 : vector<16xi32>
      %max3A_131 = arith.constant 0 : i32
      %max3A_132 = vector.broadcast %max3A_131 : i32 to vector<16xi32>
      %max3A_133 = arith.maxsi %select_n3A_120, %max3A_132 : vector<16xi32>
      %min3A_134 = arith.constant 2047 : i32
      %min3A_135 = vector.broadcast %min3A_134 : i32 to vector<16xi32>
      %min3A_136 = arith.minsi %select_n3A_124, %min3A_135 : vector<16xi32>
      %gather3A_137 = tpu.vector_load_idx %arg9[%max3A_133] : memref<2048xf32, #tpu.memory_space<vmem>>[vector<16xi32>], vector<16xf32>,
      %gather3A_138 = tpu.vector_load_idx %arg9[%min3A_136] : memref<2048xf32, #tpu.memory_space<vmem>>[vector<16xi32>], vector<16xf32>,
      %sub3A_139 = arith.subf %get3A_27, %gather3A_137 : vector<16xf32>
      %abs3A_140 = math.absf %sub3A_139 : vector<16xf32>
      %select_n3A_141 = arith.select %ge3A_127, %abs3A_140, %broadcast_in_dim3A_14 : vector<16xi1>, vector<16xf32>
      %sub3A_142 = arith.subf %get3A_27, %gather3A_138 : vector<16xf32>
      %abs3A_143 = math.absf %sub3A_142 : vector<16xf32>
      %select_n3A_144 = arith.select %lt3A_130, %abs3A_143, %broadcast_in_dim3A_14 : vector<16xi1>, vector<16xf32>
      %gather3A_145 = tpu.vector_load_idx %arg11[%max3A_133] : memref<2048xi32, #tpu.memory_space<vmem>>[vector<16xi32>], vector<16xi32>,
      %shift_right_arithmetic3A_146 = arith.constant 12 : i32
      %shift_right_arithmetic3A_147 = vector.broadcast %shift_right_arithmetic3A_146 : i32 to vector<16xi32>
      %shift_right_arithmetic3A_148 = arith.shrsi %gather3A_145, %shift_right_arithmetic3A_147 : vector<16xi32>
      %and3A_149 = arith.constant 4095 : i32
      %and3A_150 = vector.broadcast %and3A_149 : i32 to vector<16xi32>
      %and3A_151 = arith.andi %gather3A_145, %and3A_150 : vector<16xi32>
      %min3A_152 = arith.minsi %and3A_151, %get3A_29 : vector<16xi32>
      %sub3A_153 = arith.subi %min3A_152, %max3A_133 : vector<16xi32>
      %add3A_154 = arith.addi %shift_right_arithmetic3A_148, %sub3A_153 : vector<16xi32>
      %gather3A_155 = tpu.vector_load_idx %arg10[%add3A_154] : memref<2048xi32, #tpu.memory_space<vmem>>[vector<16xi32>], vector<16xi32>,
      %gather3A_156 = tpu.vector_load_idx %arg10[%min3A_136] : memref<2048xi32, #tpu.memory_space<vmem>>[vector<16xi32>], vector<16xi32>,
      %lt3A_157 = arith.cmpf olt, %select_n3A_141, %select_n3A_144 : vector<16xf32>
      %eq3A_158 = arith.cmpf oeq, %select_n3A_141, %select_n3A_144 : vector<16xf32>
      %lt3A_159 = arith.cmpi slt, %gather3A_155, %gather3A_156 : vector<16xi32>
      %and3A_160 = arith.andi %eq3A_158, %lt3A_159 : vector<16xi1>
      %or3A_161 = arith.ori %lt3A_157, %and3A_160 : vector<16xi1>
      %select_n3A_162 = arith.select %or3A_161, %gather3A_155, %gather3A_156 : vector<16xi1>, vector<16xi32>
      %mul3A_163 = arith.constant 16 : i32
      %mul3A_164 = vector.broadcast %mul3A_163 : i32 to vector<16xi32>
      %mul3A_165 = arith.muli %iota3A, %mul3A_164 : vector<16xi32>
      %add3A_166 = arith.constant 2 : i32
      %add3A_167 = vector.broadcast %add3A_166 : i32 to vector<16xi32>
      %add3A_168 = arith.addi %mul3A_165, %add3A_167 : vector<16xi32>
      tpu.vector_store_idx %arg12[%add3A_168], %select_n3A_162 : memref<256xi32, #tpu.memory_space<vmem>>[vector<16xi32>], vector<16xi32>,
      %sub3A_169 = arith.constant 1 : i32
      %sub3A_170 = vector.broadcast %sub3A_169 : i32 to vector<16xi32>
      %sub3A_171 = arith.subi %select_n3A_120, %sub3A_170 : vector<16xi32>
      %select_n3A_172 = arith.select %or3A_161, %sub3A_171, %select_n3A_120 : vector<16xi1>, vector<16xi32>
      %add3A_173 = arith.constant 1 : i32
      %add3A_174 = vector.broadcast %add3A_173 : i32 to vector<16xi32>
      %add3A_175 = arith.addi %select_n3A_124, %add3A_174 : vector<16xi32>
      %select_n3A_176 = arith.select %or3A_161, %select_n3A_124, %add3A_175 : vector<16xi1>, vector<16xi32>
      %ge3A_177 = arith.constant 0 : i32
      %ge3A_178 = vector.broadcast %ge3A_177 : i32 to vector<16xi32>
      %ge3A_179 = arith.cmpi sge, %select_n3A_172, %ge3A_178 : vector<16xi32>
      %lt3A_180 = arith.constant 2048 : i32
      %lt3A_181 = vector.broadcast %lt3A_180 : i32 to vector<16xi32>
      %lt3A_182 = arith.cmpi slt, %select_n3A_176, %lt3A_181 : vector<16xi32>
      %max3A_183 = arith.constant 0 : i32
      %max3A_184 = vector.broadcast %max3A_183 : i32 to vector<16xi32>
      %max3A_185 = arith.maxsi %select_n3A_172, %max3A_184 : vector<16xi32>
      %min3A_186 = arith.constant 2047 : i32
      %min3A_187 = vector.broadcast %min3A_186 : i32 to vector<16xi32>
      %min3A_188 = arith.minsi %select_n3A_176, %min3A_187 : vector<16xi32>
      %gather3A_189 = tpu.vector_load_idx %arg9[%max3A_185] : memref<2048xf32, #tpu.memory_space<vmem>>[vector<16xi32>], vector<16xf32>,
      %gather3A_190 = tpu.vector_load_idx %arg9[%min3A_188] : memref<2048xf32, #tpu.memory_space<vmem>>[vector<16xi32>], vector<16xf32>,
      %sub3A_191 = arith.subf %get3A_27, %gather3A_189 : vector<16xf32>
      %abs3A_192 = math.absf %sub3A_191 : vector<16xf32>
      %select_n3A_193 = arith.select %ge3A_179, %abs3A_192, %broadcast_in_dim3A_14 : vector<16xi1>, vector<16xf32>
      %sub3A_194 = arith.subf %get3A_27, %gather3A_190 : vector<16xf32>
      %abs3A_195 = math.absf %sub3A_194 : vector<16xf32>
      %select_n3A_196 = arith.select %lt3A_182, %abs3A_195, %broadcast_in_dim3A_14 : vector<16xi1>, vector<16xf32>
      %gather3A_197 = tpu.vector_load_idx %arg11[%max3A_185] : memref<2048xi32, #tpu.memory_space<vmem>>[vector<16xi32>], vector<16xi32>,
      %shift_right_arithmetic3A_198 = arith.constant 12 : i32
      %shift_right_arithmetic3A_199 = vector.broadcast %shift_right_arithmetic3A_198 : i32 to vector<16xi32>
      %shift_right_arithmetic3A_200 = arith.shrsi %gather3A_197, %shift_right_arithmetic3A_199 : vector<16xi32>
      %and3A_201 = arith.constant 4095 : i32
      %and3A_202 = vector.broadcast %and3A_201 : i32 to vector<16xi32>
      %and3A_203 = arith.andi %gather3A_197, %and3A_202 : vector<16xi32>
      %min3A_204 = arith.minsi %and3A_203, %get3A_29 : vector<16xi32>
      %sub3A_205 = arith.subi %min3A_204, %max3A_185 : vector<16xi32>
      %add3A_206 = arith.addi %shift_right_arithmetic3A_200, %sub3A_205 : vector<16xi32>
      %gather3A_207 = tpu.vector_load_idx %arg10[%add3A_206] : memref<2048xi32, #tpu.memory_space<vmem>>[vector<16xi32>], vector<16xi32>,
      %gather3A_208 = tpu.vector_load_idx %arg10[%min3A_188] : memref<2048xi32, #tpu.memory_space<vmem>>[vector<16xi32>], vector<16xi32>,
      %lt3A_209 = arith.cmpf olt, %select_n3A_193, %select_n3A_196 : vector<16xf32>
      %eq3A_210 = arith.cmpf oeq, %select_n3A_193, %select_n3A_196 : vector<16xf32>
      %lt3A_211 = arith.cmpi slt, %gather3A_207, %gather3A_208 : vector<16xi32>
      %and3A_212 = arith.andi %eq3A_210, %lt3A_211 : vector<16xi1>
      %or3A_213 = arith.ori %lt3A_209, %and3A_212 : vector<16xi1>
      %select_n3A_214 = arith.select %or3A_213, %gather3A_207, %gather3A_208 : vector<16xi1>, vector<16xi32>
      %mul3A_215 = arith.constant 16 : i32
      %mul3A_216 = vector.broadcast %mul3A_215 : i32 to vector<16xi32>
      %mul3A_217 = arith.muli %iota3A, %mul3A_216 : vector<16xi32>
      %add3A_218 = arith.constant 3 : i32
      %add3A_219 = vector.broadcast %add3A_218 : i32 to vector<16xi32>
      %add3A_220 = arith.addi %mul3A_217, %add3A_219 : vector<16xi32>
      tpu.vector_store_idx %arg12[%add3A_220], %select_n3A_214 : memref<256xi32, #tpu.memory_space<vmem>>[vector<16xi32>], vector<16xi32>,
      %sub3A_221 = arith.constant 1 : i32
      %sub3A_222 = vector.broadcast %sub3A_221 : i32 to vector<16xi32>
      %sub3A_223 = arith.subi %select_n3A_172, %sub3A_222 : vector<16xi32>
      %select_n3A_224 = arith.select %or3A_213, %sub3A_223, %select_n3A_172 : vector<16xi1>, vector<16xi32>
      %add3A_225 = arith.constant 1 : i32
      %add3A_226 = vector.broadcast %add3A_225 : i32 to vector<16xi32>
      %add3A_227 = arith.addi %select_n3A_176, %add3A_226 : vector<16xi32>
      %select_n3A_228 = arith.select %or3A_213, %select_n3A_176, %add3A_227 : vector<16xi1>, vector<16xi32>
      %ge3A_229 = arith.constant 0 : i32
      %ge3A_230 = vector.broadcast %ge3A_229 : i32 to vector<16xi32>
      %ge3A_231 = arith.cmpi sge, %select_n3A_224, %ge3A_230 : vector<16xi32>
      %lt3A_232 = arith.constant 2048 : i32
      %lt3A_233 = vector.broadcast %lt3A_232 : i32 to vector<16xi32>
      %lt3A_234 = arith.cmpi slt, %select_n3A_228, %lt3A_233 : vector<16xi32>
      %max3A_235 = arith.constant 0 : i32
      %max3A_236 = vector.broadcast %max3A_235 : i32 to vector<16xi32>
      %max3A_237 = arith.maxsi %select_n3A_224, %max3A_236 : vector<16xi32>
      %min3A_238 = arith.constant 2047 : i32
      %min3A_239 = vector.broadcast %min3A_238 : i32 to vector<16xi32>
      %min3A_240 = arith.minsi %select_n3A_228, %min3A_239 : vector<16xi32>
      %gather3A_241 = tpu.vector_load_idx %arg9[%max3A_237] : memref<2048xf32, #tpu.memory_space<vmem>>[vector<16xi32>], vector<16xf32>,
      %gather3A_242 = tpu.vector_load_idx %arg9[%min3A_240] : memref<2048xf32, #tpu.memory_space<vmem>>[vector<16xi32>], vector<16xf32>,
      %sub3A_243 = arith.subf %get3A_27, %gather3A_241 : vector<16xf32>
      %abs3A_244 = math.absf %sub3A_243 : vector<16xf32>
      %select_n3A_245 = arith.select %ge3A_231, %abs3A_244, %broadcast_in_dim3A_14 : vector<16xi1>, vector<16xf32>
      %sub3A_246 = arith.subf %get3A_27, %gather3A_242 : vector<16xf32>
      %abs3A_247 = math.absf %sub3A_246 : vector<16xf32>
      %select_n3A_248 = arith.select %lt3A_234, %abs3A_247, %broadcast_in_dim3A_14 : vector<16xi1>, vector<16xf32>
      %gather3A_249 = tpu.vector_load_idx %arg11[%max3A_237] : memref<2048xi32, #tpu.memory_space<vmem>>[vector<16xi32>], vector<16xi32>,
      %shift_right_arithmetic3A_250 = arith.constant 12 : i32
      %shift_right_arithmetic3A_251 = vector.broadcast %shift_right_arithmetic3A_250 : i32 to vector<16xi32>
      %shift_right_arithmetic3A_252 = arith.shrsi %gather3A_249, %shift_right_arithmetic3A_251 : vector<16xi32>
      %and3A_253 = arith.constant 4095 : i32
      %and3A_254 = vector.broadcast %and3A_253 : i32 to vector<16xi32>
      %and3A_255 = arith.andi %gather3A_249, %and3A_254 : vector<16xi32>
      %min3A_256 = arith.minsi %and3A_255, %get3A_29 : vector<16xi32>
      %sub3A_257 = arith.subi %min3A_256, %max3A_237 : vector<16xi32>
      %add3A_258 = arith.addi %shift_right_arithmetic3A_252, %sub3A_257 : vector<16xi32>
      %gather3A_259 = tpu.vector_load_idx %arg10[%add3A_258] : memref<2048xi32, #tpu.memory_space<vmem>>[vector<16xi32>], vector<16xi32>,
      %gather3A_260 = tpu.vector_load_idx %arg10[%min3A_240] : memref<2048xi32, #tpu.memory_space<vmem>>[vector<16xi32>], vector<16xi32>,
      %lt3A_261 = arith.cmpf olt, %select_n3A_245, %select_n3A_248 : vector<16xf32>
      %eq3A_262 = arith.cmpf oeq, %select_n3A_245, %select_n3A_248 : vector<16xf32>
      %lt3A_263 = arith.cmpi slt, %gather3A_259, %gather3A_260 : vector<16xi32>
      %and3A_264 = arith.andi %eq3A_262, %lt3A_263 : vector<16xi1>
      %or3A_265 = arith.ori %lt3A_261, %and3A_264 : vector<16xi1>
      %select_n3A_266 = arith.select %or3A_265, %gather3A_259, %gather3A_260 : vector<16xi1>, vector<16xi32>
      %mul3A_267 = arith.constant 16 : i32
      %mul3A_268 = vector.broadcast %mul3A_267 : i32 to vector<16xi32>
      %mul3A_269 = arith.muli %iota3A, %mul3A_268 : vector<16xi32>
      %add3A_270 = arith.constant 4 : i32
      %add3A_271 = vector.broadcast %add3A_270 : i32 to vector<16xi32>
      %add3A_272 = arith.addi %mul3A_269, %add3A_271 : vector<16xi32>
      tpu.vector_store_idx %arg12[%add3A_272], %select_n3A_266 : memref<256xi32, #tpu.memory_space<vmem>>[vector<16xi32>], vector<16xi32>,
      %sub3A_273 = arith.constant 1 : i32
      %sub3A_274 = vector.broadcast %sub3A_273 : i32 to vector<16xi32>
      %sub3A_275 = arith.subi %select_n3A_224, %sub3A_274 : vector<16xi32>
      %select_n3A_276 = arith.select %or3A_265, %sub3A_275, %select_n3A_224 : vector<16xi1>, vector<16xi32>
      %add3A_277 = arith.constant 1 : i32
      %add3A_278 = vector.broadcast %add3A_277 : i32 to vector<16xi32>
      %add3A_279 = arith.addi %select_n3A_228, %add3A_278 : vector<16xi32>
      %select_n3A_280 = arith.select %or3A_265, %select_n3A_228, %add3A_279 : vector<16xi1>, vector<16xi32>
      %ge3A_281 = arith.constant 0 : i32
      %ge3A_282 = vector.broadcast %ge3A_281 : i32 to vector<16xi32>
      %ge3A_283 = arith.cmpi sge, %select_n3A_276, %ge3A_282 : vector<16xi32>
      %lt3A_284 = arith.constant 2048 : i32
      %lt3A_285 = vector.broadcast %lt3A_284 : i32 to vector<16xi32>
      %lt3A_286 = arith.cmpi slt, %select_n3A_280, %lt3A_285 : vector<16xi32>
      %max3A_287 = arith.constant 0 : i32
      %max3A_288 = vector.broadcast %max3A_287 : i32 to vector<16xi32>
      %max3A_289 = arith.maxsi %select_n3A_276, %max3A_288 : vector<16xi32>
      %min3A_290 = arith.constant 2047 : i32
      %min3A_291 = vector.broadcast %min3A_290 : i32 to vector<16xi32>
      %min3A_292 = arith.minsi %select_n3A_280, %min3A_291 : vector<16xi32>
      %gather3A_293 = tpu.vector_load_idx %arg9[%max3A_289] : memref<2048xf32, #tpu.memory_space<vmem>>[vector<16xi32>], vector<16xf32>,
      %gather3A_294 = tpu.vector_load_idx %arg9[%min3A_292] : memref<2048xf32, #tpu.memory_space<vmem>>[vector<16xi32>], vector<16xf32>,
      %sub3A_295 = arith.subf %get3A_27, %gather3A_293 : vector<16xf32>
      %abs3A_296 = math.absf %sub3A_295 : vector<16xf32>
      %select_n3A_297 = arith.select %ge3A_283, %abs3A_296, %broadcast_in_dim3A_14 : vector<16xi1>, vector<16xf32>
      %sub3A_298 = arith.subf %get3A_27, %gather3A_294 : vector<16xf32>
      %abs3A_299 = math.absf %sub3A_298 : vector<16xf32>
      %select_n3A_300 = arith.select %lt3A_286, %abs3A_299, %broadcast_in_dim3A_14 : vector<16xi1>, vector<16xf32>
      %gather3A_301 = tpu.vector_load_idx %arg11[%max3A_289] : memref<2048xi32, #tpu.memory_space<vmem>>[vector<16xi32>], vector<16xi32>,
      %shift_right_arithmetic3A_302 = arith.constant 12 : i32
      %shift_right_arithmetic3A_303 = vector.broadcast %shift_right_arithmetic3A_302 : i32 to vector<16xi32>
      %shift_right_arithmetic3A_304 = arith.shrsi %gather3A_301, %shift_right_arithmetic3A_303 : vector<16xi32>
      %and3A_305 = arith.constant 4095 : i32
      %and3A_306 = vector.broadcast %and3A_305 : i32 to vector<16xi32>
      %and3A_307 = arith.andi %gather3A_301, %and3A_306 : vector<16xi32>
      %min3A_308 = arith.minsi %and3A_307, %get3A_29 : vector<16xi32>
      %sub3A_309 = arith.subi %min3A_308, %max3A_289 : vector<16xi32>
      %add3A_310 = arith.addi %shift_right_arithmetic3A_304, %sub3A_309 : vector<16xi32>
      %gather3A_311 = tpu.vector_load_idx %arg10[%add3A_310] : memref<2048xi32, #tpu.memory_space<vmem>>[vector<16xi32>], vector<16xi32>,
      %gather3A_312 = tpu.vector_load_idx %arg10[%min3A_292] : memref<2048xi32, #tpu.memory_space<vmem>>[vector<16xi32>], vector<16xi32>,
      %lt3A_313 = arith.cmpf olt, %select_n3A_297, %select_n3A_300 : vector<16xf32>
      %eq3A_314 = arith.cmpf oeq, %select_n3A_297, %select_n3A_300 : vector<16xf32>
      %lt3A_315 = arith.cmpi slt, %gather3A_311, %gather3A_312 : vector<16xi32>
      %and3A_316 = arith.andi %eq3A_314, %lt3A_315 : vector<16xi1>
      %or3A_317 = arith.ori %lt3A_313, %and3A_316 : vector<16xi1>
      %select_n3A_318 = arith.select %or3A_317, %gather3A_311, %gather3A_312 : vector<16xi1>, vector<16xi32>
      %mul3A_319 = arith.constant 16 : i32
      %mul3A_320 = vector.broadcast %mul3A_319 : i32 to vector<16xi32>
      %mul3A_321 = arith.muli %iota3A, %mul3A_320 : vector<16xi32>
      %add3A_322 = arith.constant 5 : i32
      %add3A_323 = vector.broadcast %add3A_322 : i32 to vector<16xi32>
      %add3A_324 = arith.addi %mul3A_321, %add3A_323 : vector<16xi32>
      tpu.vector_store_idx %arg12[%add3A_324], %select_n3A_318 : memref<256xi32, #tpu.memory_space<vmem>>[vector<16xi32>], vector<16xi32>,
      %sub3A_325 = arith.constant 1 : i32
      %sub3A_326 = vector.broadcast %sub3A_325 : i32 to vector<16xi32>
      %sub3A_327 = arith.subi %select_n3A_276, %sub3A_326 : vector<16xi32>
      %select_n3A_328 = arith.select %or3A_317, %sub3A_327, %select_n3A_276 : vector<16xi1>, vector<16xi32>
      %add3A_329 = arith.constant 1 : i32
      %add3A_330 = vector.broadcast %add3A_329 : i32 to vector<16xi32>
      %add3A_331 = arith.addi %select_n3A_280, %add3A_330 : vector<16xi32>
      %select_n3A_332 = arith.select %or3A_317, %select_n3A_280, %add3A_331 : vector<16xi1>, vector<16xi32>
      %ge3A_333 = arith.constant 0 : i32
      %ge3A_334 = vector.broadcast %ge3A_333 : i32 to vector<16xi32>
      %ge3A_335 = arith.cmpi sge, %select_n3A_328, %ge3A_334 : vector<16xi32>
      %lt3A_336 = arith.constant 2048 : i32
      %lt3A_337 = vector.broadcast %lt3A_336 : i32 to vector<16xi32>
      %lt3A_338 = arith.cmpi slt, %select_n3A_332, %lt3A_337 : vector<16xi32>
      %max3A_339 = arith.constant 0 : i32
      %max3A_340 = vector.broadcast %max3A_339 : i32 to vector<16xi32>
      %max3A_341 = arith.maxsi %select_n3A_328, %max3A_340 : vector<16xi32>
      %min3A_342 = arith.constant 2047 : i32
      %min3A_343 = vector.broadcast %min3A_342 : i32 to vector<16xi32>
      %min3A_344 = arith.minsi %select_n3A_332, %min3A_343 : vector<16xi32>
      %gather3A_345 = tpu.vector_load_idx %arg9[%max3A_341] : memref<2048xf32, #tpu.memory_space<vmem>>[vector<16xi32>], vector<16xf32>,
      %gather3A_346 = tpu.vector_load_idx %arg9[%min3A_344] : memref<2048xf32, #tpu.memory_space<vmem>>[vector<16xi32>], vector<16xf32>,
      %sub3A_347 = arith.subf %get3A_27, %gather3A_345 : vector<16xf32>
      %abs3A_348 = math.absf %sub3A_347 : vector<16xf32>
      %select_n3A_349 = arith.select %ge3A_335, %abs3A_348, %broadcast_in_dim3A_14 : vector<16xi1>, vector<16xf32>
      %sub3A_350 = arith.subf %get3A_27, %gather3A_346 : vector<16xf32>
      %abs3A_351 = math.absf %sub3A_350 : vector<16xf32>
      %select_n3A_352 = arith.select %lt3A_338, %abs3A_351, %broadcast_in_dim3A_14 : vector<16xi1>, vector<16xf32>
      %gather3A_353 = tpu.vector_load_idx %arg11[%max3A_341] : memref<2048xi32, #tpu.memory_space<vmem>>[vector<16xi32>], vector<16xi32>,
      %shift_right_arithmetic3A_354 = arith.constant 12 : i32
      %shift_right_arithmetic3A_355 = vector.broadcast %shift_right_arithmetic3A_354 : i32 to vector<16xi32>
      %shift_right_arithmetic3A_356 = arith.shrsi %gather3A_353, %shift_right_arithmetic3A_355 : vector<16xi32>
      %and3A_357 = arith.constant 4095 : i32
      %and3A_358 = vector.broadcast %and3A_357 : i32 to vector<16xi32>
      %and3A_359 = arith.andi %gather3A_353, %and3A_358 : vector<16xi32>
      %min3A_360 = arith.minsi %and3A_359, %get3A_29 : vector<16xi32>
      %sub3A_361 = arith.subi %min3A_360, %max3A_341 : vector<16xi32>
      %add3A_362 = arith.addi %shift_right_arithmetic3A_356, %sub3A_361 : vector<16xi32>
      %gather3A_363 = tpu.vector_load_idx %arg10[%add3A_362] : memref<2048xi32, #tpu.memory_space<vmem>>[vector<16xi32>], vector<16xi32>,
      %gather3A_364 = tpu.vector_load_idx %arg10[%min3A_344] : memref<2048xi32, #tpu.memory_space<vmem>>[vector<16xi32>], vector<16xi32>,
      %lt3A_365 = arith.cmpf olt, %select_n3A_349, %select_n3A_352 : vector<16xf32>
      %eq3A_366 = arith.cmpf oeq, %select_n3A_349, %select_n3A_352 : vector<16xf32>
      %lt3A_367 = arith.cmpi slt, %gather3A_363, %gather3A_364 : vector<16xi32>
      %and3A_368 = arith.andi %eq3A_366, %lt3A_367 : vector<16xi1>
      %or3A_369 = arith.ori %lt3A_365, %and3A_368 : vector<16xi1>
      %select_n3A_370 = arith.select %or3A_369, %gather3A_363, %gather3A_364 : vector<16xi1>, vector<16xi32>
      %mul3A_371 = arith.constant 16 : i32
      %mul3A_372 = vector.broadcast %mul3A_371 : i32 to vector<16xi32>
      %mul3A_373 = arith.muli %iota3A, %mul3A_372 : vector<16xi32>
      %add3A_374 = arith.constant 6 : i32
      %add3A_375 = vector.broadcast %add3A_374 : i32 to vector<16xi32>
      %add3A_376 = arith.addi %mul3A_373, %add3A_375 : vector<16xi32>
      tpu.vector_store_idx %arg12[%add3A_376], %select_n3A_370 : memref<256xi32, #tpu.memory_space<vmem>>[vector<16xi32>], vector<16xi32>,
      %sub3A_377 = arith.constant 1 : i32
      %sub3A_378 = vector.broadcast %sub3A_377 : i32 to vector<16xi32>
      %sub3A_379 = arith.subi %select_n3A_328, %sub3A_378 : vector<16xi32>
      %select_n3A_380 = arith.select %or3A_369, %sub3A_379, %select_n3A_328 : vector<16xi1>, vector<16xi32>
      %add3A_381 = arith.constant 1 : i32
      %add3A_382 = vector.broadcast %add3A_381 : i32 to vector<16xi32>
      %add3A_383 = arith.addi %select_n3A_332, %add3A_382 : vector<16xi32>
      %select_n3A_384 = arith.select %or3A_369, %select_n3A_332, %add3A_383 : vector<16xi1>, vector<16xi32>
      %ge3A_385 = arith.constant 0 : i32
      %ge3A_386 = vector.broadcast %ge3A_385 : i32 to vector<16xi32>
      %ge3A_387 = arith.cmpi sge, %select_n3A_380, %ge3A_386 : vector<16xi32>
      %lt3A_388 = arith.constant 2048 : i32
      %lt3A_389 = vector.broadcast %lt3A_388 : i32 to vector<16xi32>
      %lt3A_390 = arith.cmpi slt, %select_n3A_384, %lt3A_389 : vector<16xi32>
      %max3A_391 = arith.constant 0 : i32
      %max3A_392 = vector.broadcast %max3A_391 : i32 to vector<16xi32>
      %max3A_393 = arith.maxsi %select_n3A_380, %max3A_392 : vector<16xi32>
      %min3A_394 = arith.constant 2047 : i32
      %min3A_395 = vector.broadcast %min3A_394 : i32 to vector<16xi32>
      %min3A_396 = arith.minsi %select_n3A_384, %min3A_395 : vector<16xi32>
      %gather3A_397 = tpu.vector_load_idx %arg9[%max3A_393] : memref<2048xf32, #tpu.memory_space<vmem>>[vector<16xi32>], vector<16xf32>,
      %gather3A_398 = tpu.vector_load_idx %arg9[%min3A_396] : memref<2048xf32, #tpu.memory_space<vmem>>[vector<16xi32>], vector<16xf32>,
      %sub3A_399 = arith.subf %get3A_27, %gather3A_397 : vector<16xf32>
      %abs3A_400 = math.absf %sub3A_399 : vector<16xf32>
      %select_n3A_401 = arith.select %ge3A_387, %abs3A_400, %broadcast_in_dim3A_14 : vector<16xi1>, vector<16xf32>
      %sub3A_402 = arith.subf %get3A_27, %gather3A_398 : vector<16xf32>
      %abs3A_403 = math.absf %sub3A_402 : vector<16xf32>
      %select_n3A_404 = arith.select %lt3A_390, %abs3A_403, %broadcast_in_dim3A_14 : vector<16xi1>, vector<16xf32>
      %gather3A_405 = tpu.vector_load_idx %arg11[%max3A_393] : memref<2048xi32, #tpu.memory_space<vmem>>[vector<16xi32>], vector<16xi32>,
      %shift_right_arithmetic3A_406 = arith.constant 12 : i32
      %shift_right_arithmetic3A_407 = vector.broadcast %shift_right_arithmetic3A_406 : i32 to vector<16xi32>
      %shift_right_arithmetic3A_408 = arith.shrsi %gather3A_405, %shift_right_arithmetic3A_407 : vector<16xi32>
      %and3A_409 = arith.constant 4095 : i32
      %and3A_410 = vector.broadcast %and3A_409 : i32 to vector<16xi32>
      %and3A_411 = arith.andi %gather3A_405, %and3A_410 : vector<16xi32>
      %min3A_412 = arith.minsi %and3A_411, %get3A_29 : vector<16xi32>
      %sub3A_413 = arith.subi %min3A_412, %max3A_393 : vector<16xi32>
      %add3A_414 = arith.addi %shift_right_arithmetic3A_408, %sub3A_413 : vector<16xi32>
      %gather3A_415 = tpu.vector_load_idx %arg10[%add3A_414] : memref<2048xi32, #tpu.memory_space<vmem>>[vector<16xi32>], vector<16xi32>,
      %gather3A_416 = tpu.vector_load_idx %arg10[%min3A_396] : memref<2048xi32, #tpu.memory_space<vmem>>[vector<16xi32>], vector<16xi32>,
      %lt3A_417 = arith.cmpf olt, %select_n3A_401, %select_n3A_404 : vector<16xf32>
      %eq3A_418 = arith.cmpf oeq, %select_n3A_401, %select_n3A_404 : vector<16xf32>
      %lt3A_419 = arith.cmpi slt, %gather3A_415, %gather3A_416 : vector<16xi32>
      %and3A_420 = arith.andi %eq3A_418, %lt3A_419 : vector<16xi1>
      %or3A_421 = arith.ori %lt3A_417, %and3A_420 : vector<16xi1>
      %select_n3A_422 = arith.select %or3A_421, %gather3A_415, %gather3A_416 : vector<16xi1>, vector<16xi32>
      %mul3A_423 = arith.constant 16 : i32
      %mul3A_424 = vector.broadcast %mul3A_423 : i32 to vector<16xi32>
      %mul3A_425 = arith.muli %iota3A, %mul3A_424 : vector<16xi32>
      %add3A_426 = arith.constant 7 : i32
      %add3A_427 = vector.broadcast %add3A_426 : i32 to vector<16xi32>
      %add3A_428 = arith.addi %mul3A_425, %add3A_427 : vector<16xi32>
      tpu.vector_store_idx %arg12[%add3A_428], %select_n3A_422 : memref<256xi32, #tpu.memory_space<vmem>>[vector<16xi32>], vector<16xi32>,
      %sub3A_429 = arith.constant 1 : i32
      %sub3A_430 = vector.broadcast %sub3A_429 : i32 to vector<16xi32>
      %sub3A_431 = arith.subi %select_n3A_380, %sub3A_430 : vector<16xi32>
      %select_n3A_432 = arith.select %or3A_421, %sub3A_431, %select_n3A_380 : vector<16xi1>, vector<16xi32>
      %add3A_433 = arith.constant 1 : i32
      %add3A_434 = vector.broadcast %add3A_433 : i32 to vector<16xi32>
      %add3A_435 = arith.addi %select_n3A_384, %add3A_434 : vector<16xi32>
      %select_n3A_436 = arith.select %or3A_421, %select_n3A_384, %add3A_435 : vector<16xi1>, vector<16xi32>
      %ge3A_437 = arith.constant 0 : i32
      %ge3A_438 = vector.broadcast %ge3A_437 : i32 to vector<16xi32>
      %ge3A_439 = arith.cmpi sge, %select_n3A_432, %ge3A_438 : vector<16xi32>
      %lt3A_440 = arith.constant 2048 : i32
      %lt3A_441 = vector.broadcast %lt3A_440 : i32 to vector<16xi32>
      %lt3A_442 = arith.cmpi slt, %select_n3A_436, %lt3A_441 : vector<16xi32>
      %max3A_443 = arith.constant 0 : i32
      %max3A_444 = vector.broadcast %max3A_443 : i32 to vector<16xi32>
      %max3A_445 = arith.maxsi %select_n3A_432, %max3A_444 : vector<16xi32>
      %min3A_446 = arith.constant 2047 : i32
      %min3A_447 = vector.broadcast %min3A_446 : i32 to vector<16xi32>
      %min3A_448 = arith.minsi %select_n3A_436, %min3A_447 : vector<16xi32>
      %gather3A_449 = tpu.vector_load_idx %arg9[%max3A_445] : memref<2048xf32, #tpu.memory_space<vmem>>[vector<16xi32>], vector<16xf32>,
      %gather3A_450 = tpu.vector_load_idx %arg9[%min3A_448] : memref<2048xf32, #tpu.memory_space<vmem>>[vector<16xi32>], vector<16xf32>,
      %sub3A_451 = arith.subf %get3A_27, %gather3A_449 : vector<16xf32>
      %abs3A_452 = math.absf %sub3A_451 : vector<16xf32>
      %select_n3A_453 = arith.select %ge3A_439, %abs3A_452, %broadcast_in_dim3A_14 : vector<16xi1>, vector<16xf32>
      %sub3A_454 = arith.subf %get3A_27, %gather3A_450 : vector<16xf32>
      %abs3A_455 = math.absf %sub3A_454 : vector<16xf32>
      %select_n3A_456 = arith.select %lt3A_442, %abs3A_455, %broadcast_in_dim3A_14 : vector<16xi1>, vector<16xf32>
      %gather3A_457 = tpu.vector_load_idx %arg11[%max3A_445] : memref<2048xi32, #tpu.memory_space<vmem>>[vector<16xi32>], vector<16xi32>,
      %shift_right_arithmetic3A_458 = arith.constant 12 : i32
      %shift_right_arithmetic3A_459 = vector.broadcast %shift_right_arithmetic3A_458 : i32 to vector<16xi32>
      %shift_right_arithmetic3A_460 = arith.shrsi %gather3A_457, %shift_right_arithmetic3A_459 : vector<16xi32>
      %and3A_461 = arith.constant 4095 : i32
      %and3A_462 = vector.broadcast %and3A_461 : i32 to vector<16xi32>
      %and3A_463 = arith.andi %gather3A_457, %and3A_462 : vector<16xi32>
      %min3A_464 = arith.minsi %and3A_463, %get3A_29 : vector<16xi32>
      %sub3A_465 = arith.subi %min3A_464, %max3A_445 : vector<16xi32>
      %add3A_466 = arith.addi %shift_right_arithmetic3A_460, %sub3A_465 : vector<16xi32>
      %gather3A_467 = tpu.vector_load_idx %arg10[%add3A_466] : memref<2048xi32, #tpu.memory_space<vmem>>[vector<16xi32>], vector<16xi32>,
      %gather3A_468 = tpu.vector_load_idx %arg10[%min3A_448] : memref<2048xi32, #tpu.memory_space<vmem>>[vector<16xi32>], vector<16xi32>,
      %lt3A_469 = arith.cmpf olt, %select_n3A_453, %select_n3A_456 : vector<16xf32>
      %eq3A_470 = arith.cmpf oeq, %select_n3A_453, %select_n3A_456 : vector<16xf32>
      %lt3A_471 = arith.cmpi slt, %gather3A_467, %gather3A_468 : vector<16xi32>
      %and3A_472 = arith.andi %eq3A_470, %lt3A_471 : vector<16xi1>
      %or3A_473 = arith.ori %lt3A_469, %and3A_472 : vector<16xi1>
      %select_n3A_474 = arith.select %or3A_473, %gather3A_467, %gather3A_468 : vector<16xi1>, vector<16xi32>
      %mul3A_475 = arith.constant 16 : i32
      %mul3A_476 = vector.broadcast %mul3A_475 : i32 to vector<16xi32>
      %mul3A_477 = arith.muli %iota3A, %mul3A_476 : vector<16xi32>
      %add3A_478 = arith.constant 8 : i32
      %add3A_479 = vector.broadcast %add3A_478 : i32 to vector<16xi32>
      %add3A_480 = arith.addi %mul3A_477, %add3A_479 : vector<16xi32>
      tpu.vector_store_idx %arg12[%add3A_480], %select_n3A_474 : memref<256xi32, #tpu.memory_space<vmem>>[vector<16xi32>], vector<16xi32>,
      %sub3A_481 = arith.constant 1 : i32
      %sub3A_482 = vector.broadcast %sub3A_481 : i32 to vector<16xi32>
      %sub3A_483 = arith.subi %select_n3A_432, %sub3A_482 : vector<16xi32>
      %select_n3A_484 = arith.select %or3A_473, %sub3A_483, %select_n3A_432 : vector<16xi1>, vector<16xi32>
      %add3A_485 = arith.constant 1 : i32
      %add3A_486 = vector.broadcast %add3A_485 : i32 to vector<16xi32>
      %add3A_487 = arith.addi %select_n3A_436, %add3A_486 : vector<16xi32>
      %select_n3A_488 = arith.select %or3A_473, %select_n3A_436, %add3A_487 : vector<16xi1>, vector<16xi32>
      %ge3A_489 = arith.constant 0 : i32
      %ge3A_490 = vector.broadcast %ge3A_489 : i32 to vector<16xi32>
      %ge3A_491 = arith.cmpi sge, %select_n3A_484, %ge3A_490 : vector<16xi32>
      %lt3A_492 = arith.constant 2048 : i32
      %lt3A_493 = vector.broadcast %lt3A_492 : i32 to vector<16xi32>
      %lt3A_494 = arith.cmpi slt, %select_n3A_488, %lt3A_493 : vector<16xi32>
      %max3A_495 = arith.constant 0 : i32
      %max3A_496 = vector.broadcast %max3A_495 : i32 to vector<16xi32>
      %max3A_497 = arith.maxsi %select_n3A_484, %max3A_496 : vector<16xi32>
      %min3A_498 = arith.constant 2047 : i32
      %min3A_499 = vector.broadcast %min3A_498 : i32 to vector<16xi32>
      %min3A_500 = arith.minsi %select_n3A_488, %min3A_499 : vector<16xi32>
      %gather3A_501 = tpu.vector_load_idx %arg9[%max3A_497] : memref<2048xf32, #tpu.memory_space<vmem>>[vector<16xi32>], vector<16xf32>,
      %gather3A_502 = tpu.vector_load_idx %arg9[%min3A_500] : memref<2048xf32, #tpu.memory_space<vmem>>[vector<16xi32>], vector<16xf32>,
      %sub3A_503 = arith.subf %get3A_27, %gather3A_501 : vector<16xf32>
      %abs3A_504 = math.absf %sub3A_503 : vector<16xf32>
      %select_n3A_505 = arith.select %ge3A_491, %abs3A_504, %broadcast_in_dim3A_14 : vector<16xi1>, vector<16xf32>
      %sub3A_506 = arith.subf %get3A_27, %gather3A_502 : vector<16xf32>
      %abs3A_507 = math.absf %sub3A_506 : vector<16xf32>
      %select_n3A_508 = arith.select %lt3A_494, %abs3A_507, %broadcast_in_dim3A_14 : vector<16xi1>, vector<16xf32>
      %gather3A_509 = tpu.vector_load_idx %arg11[%max3A_497] : memref<2048xi32, #tpu.memory_space<vmem>>[vector<16xi32>], vector<16xi32>,
      %shift_right_arithmetic3A_510 = arith.constant 12 : i32
      %shift_right_arithmetic3A_511 = vector.broadcast %shift_right_arithmetic3A_510 : i32 to vector<16xi32>
      %shift_right_arithmetic3A_512 = arith.shrsi %gather3A_509, %shift_right_arithmetic3A_511 : vector<16xi32>
      %and3A_513 = arith.constant 4095 : i32
      %and3A_514 = vector.broadcast %and3A_513 : i32 to vector<16xi32>
      %and3A_515 = arith.andi %gather3A_509, %and3A_514 : vector<16xi32>
      %min3A_516 = arith.minsi %and3A_515, %get3A_29 : vector<16xi32>
      %sub3A_517 = arith.subi %min3A_516, %max3A_497 : vector<16xi32>
      %add3A_518 = arith.addi %shift_right_arithmetic3A_512, %sub3A_517 : vector<16xi32>
      %gather3A_519 = tpu.vector_load_idx %arg10[%add3A_518] : memref<2048xi32, #tpu.memory_space<vmem>>[vector<16xi32>], vector<16xi32>,
      %gather3A_520 = tpu.vector_load_idx %arg10[%min3A_500] : memref<2048xi32, #tpu.memory_space<vmem>>[vector<16xi32>], vector<16xi32>,
      %lt3A_521 = arith.cmpf olt, %select_n3A_505, %select_n3A_508 : vector<16xf32>
      %eq3A_522 = arith.cmpf oeq, %select_n3A_505, %select_n3A_508 : vector<16xf32>
      %lt3A_523 = arith.cmpi slt, %gather3A_519, %gather3A_520 : vector<16xi32>
      %and3A_524 = arith.andi %eq3A_522, %lt3A_523 : vector<16xi1>
      %or3A_525 = arith.ori %lt3A_521, %and3A_524 : vector<16xi1>
      %select_n3A_526 = arith.select %or3A_525, %gather3A_519, %gather3A_520 : vector<16xi1>, vector<16xi32>
      %mul3A_527 = arith.constant 16 : i32
      %mul3A_528 = vector.broadcast %mul3A_527 : i32 to vector<16xi32>
      %mul3A_529 = arith.muli %iota3A, %mul3A_528 : vector<16xi32>
      %add3A_530 = arith.constant 9 : i32
      %add3A_531 = vector.broadcast %add3A_530 : i32 to vector<16xi32>
      %add3A_532 = arith.addi %mul3A_529, %add3A_531 : vector<16xi32>
      tpu.vector_store_idx %arg12[%add3A_532], %select_n3A_526 : memref<256xi32, #tpu.memory_space<vmem>>[vector<16xi32>], vector<16xi32>,
      %sub3A_533 = arith.constant 1 : i32
      %sub3A_534 = vector.broadcast %sub3A_533 : i32 to vector<16xi32>
      %sub3A_535 = arith.subi %select_n3A_484, %sub3A_534 : vector<16xi32>
      %select_n3A_536 = arith.select %or3A_525, %sub3A_535, %select_n3A_484 : vector<16xi1>, vector<16xi32>
      %add3A_537 = arith.constant 1 : i32
      %add3A_538 = vector.broadcast %add3A_537 : i32 to vector<16xi32>
      %add3A_539 = arith.addi %select_n3A_488, %add3A_538 : vector<16xi32>
      %select_n3A_540 = arith.select %or3A_525, %select_n3A_488, %add3A_539 : vector<16xi1>, vector<16xi32>
      %ge3A_541 = arith.constant 0 : i32
      %ge3A_542 = vector.broadcast %ge3A_541 : i32 to vector<16xi32>
      %ge3A_543 = arith.cmpi sge, %select_n3A_536, %ge3A_542 : vector<16xi32>
      %lt3A_544 = arith.constant 2048 : i32
      %lt3A_545 = vector.broadcast %lt3A_544 : i32 to vector<16xi32>
      %lt3A_546 = arith.cmpi slt, %select_n3A_540, %lt3A_545 : vector<16xi32>
      %max3A_547 = arith.constant 0 : i32
      %max3A_548 = vector.broadcast %max3A_547 : i32 to vector<16xi32>
      %max3A_549 = arith.maxsi %select_n3A_536, %max3A_548 : vector<16xi32>
      %min3A_550 = arith.constant 2047 : i32
      %min3A_551 = vector.broadcast %min3A_550 : i32 to vector<16xi32>
      %min3A_552 = arith.minsi %select_n3A_540, %min3A_551 : vector<16xi32>
      %gather3A_553 = tpu.vector_load_idx %arg9[%max3A_549] : memref<2048xf32, #tpu.memory_space<vmem>>[vector<16xi32>], vector<16xf32>,
      %gather3A_554 = tpu.vector_load_idx %arg9[%min3A_552] : memref<2048xf32, #tpu.memory_space<vmem>>[vector<16xi32>], vector<16xf32>,
      %sub3A_555 = arith.subf %get3A_27, %gather3A_553 : vector<16xf32>
      %abs3A_556 = math.absf %sub3A_555 : vector<16xf32>
      %select_n3A_557 = arith.select %ge3A_543, %abs3A_556, %broadcast_in_dim3A_14 : vector<16xi1>, vector<16xf32>
      %sub3A_558 = arith.subf %get3A_27, %gather3A_554 : vector<16xf32>
      %abs3A_559 = math.absf %sub3A_558 : vector<16xf32>
      %select_n3A_560 = arith.select %lt3A_546, %abs3A_559, %broadcast_in_dim3A_14 : vector<16xi1>, vector<16xf32>
      %gather3A_561 = tpu.vector_load_idx %arg11[%max3A_549] : memref<2048xi32, #tpu.memory_space<vmem>>[vector<16xi32>], vector<16xi32>,
      %shift_right_arithmetic3A_562 = arith.constant 12 : i32
      %shift_right_arithmetic3A_563 = vector.broadcast %shift_right_arithmetic3A_562 : i32 to vector<16xi32>
      %shift_right_arithmetic3A_564 = arith.shrsi %gather3A_561, %shift_right_arithmetic3A_563 : vector<16xi32>
      %and3A_565 = arith.constant 4095 : i32
      %and3A_566 = vector.broadcast %and3A_565 : i32 to vector<16xi32>
      %and3A_567 = arith.andi %gather3A_561, %and3A_566 : vector<16xi32>
      %min3A_568 = arith.minsi %and3A_567, %get3A_29 : vector<16xi32>
      %sub3A_569 = arith.subi %min3A_568, %max3A_549 : vector<16xi32>
      %add3A_570 = arith.addi %shift_right_arithmetic3A_564, %sub3A_569 : vector<16xi32>
      %gather3A_571 = tpu.vector_load_idx %arg10[%add3A_570] : memref<2048xi32, #tpu.memory_space<vmem>>[vector<16xi32>], vector<16xi32>,
      %gather3A_572 = tpu.vector_load_idx %arg10[%min3A_552] : memref<2048xi32, #tpu.memory_space<vmem>>[vector<16xi32>], vector<16xi32>,
      %lt3A_573 = arith.cmpf olt, %select_n3A_557, %select_n3A_560 : vector<16xf32>
      %eq3A_574 = arith.cmpf oeq, %select_n3A_557, %select_n3A_560 : vector<16xf32>
      %lt3A_575 = arith.cmpi slt, %gather3A_571, %gather3A_572 : vector<16xi32>
      %and3A_576 = arith.andi %eq3A_574, %lt3A_575 : vector<16xi1>
      %or3A_577 = arith.ori %lt3A_573, %and3A_576 : vector<16xi1>
      %select_n3A_578 = arith.select %or3A_577, %gather3A_571, %gather3A_572 : vector<16xi1>, vector<16xi32>
      %mul3A_579 = arith.constant 16 : i32
      %mul3A_580 = vector.broadcast %mul3A_579 : i32 to vector<16xi32>
      %mul3A_581 = arith.muli %iota3A, %mul3A_580 : vector<16xi32>
      %add3A_582 = arith.constant 10 : i32
      %add3A_583 = vector.broadcast %add3A_582 : i32 to vector<16xi32>
      %add3A_584 = arith.addi %mul3A_581, %add3A_583 : vector<16xi32>
      tpu.vector_store_idx %arg12[%add3A_584], %select_n3A_578 : memref<256xi32, #tpu.memory_space<vmem>>[vector<16xi32>], vector<16xi32>,
      %sub3A_585 = arith.constant 1 : i32
      %sub3A_586 = vector.broadcast %sub3A_585 : i32 to vector<16xi32>
      %sub3A_587 = arith.subi %select_n3A_536, %sub3A_586 : vector<16xi32>
      %select_n3A_588 = arith.select %or3A_577, %sub3A_587, %select_n3A_536 : vector<16xi1>, vector<16xi32>
      %add3A_589 = arith.constant 1 : i32
      %add3A_590 = vector.broadcast %add3A_589 : i32 to vector<16xi32>
      %add3A_591 = arith.addi %select_n3A_540, %add3A_590 : vector<16xi32>
      %select_n3A_592 = arith.select %or3A_577, %select_n3A_540, %add3A_591 : vector<16xi1>, vector<16xi32>
      %ge3A_593 = arith.constant 0 : i32
      %ge3A_594 = vector.broadcast %ge3A_593 : i32 to vector<16xi32>
      %ge3A_595 = arith.cmpi sge, %select_n3A_588, %ge3A_594 : vector<16xi32>
      %lt3A_596 = arith.constant 2048 : i32
      %lt3A_597 = vector.broadcast %lt3A_596 : i32 to vector<16xi32>
      %lt3A_598 = arith.cmpi slt, %select_n3A_592, %lt3A_597 : vector<16xi32>
      %max3A_599 = arith.constant 0 : i32
      %max3A_600 = vector.broadcast %max3A_599 : i32 to vector<16xi32>
      %max3A_601 = arith.maxsi %select_n3A_588, %max3A_600 : vector<16xi32>
      %min3A_602 = arith.constant 2047 : i32
      %min3A_603 = vector.broadcast %min3A_602 : i32 to vector<16xi32>
      %min3A_604 = arith.minsi %select_n3A_592, %min3A_603 : vector<16xi32>
      %gather3A_605 = tpu.vector_load_idx %arg9[%max3A_601] : memref<2048xf32, #tpu.memory_space<vmem>>[vector<16xi32>], vector<16xf32>,
      %gather3A_606 = tpu.vector_load_idx %arg9[%min3A_604] : memref<2048xf32, #tpu.memory_space<vmem>>[vector<16xi32>], vector<16xf32>,
      %sub3A_607 = arith.subf %get3A_27, %gather3A_605 : vector<16xf32>
      %abs3A_608 = math.absf %sub3A_607 : vector<16xf32>
      %select_n3A_609 = arith.select %ge3A_595, %abs3A_608, %broadcast_in_dim3A_14 : vector<16xi1>, vector<16xf32>
      %sub3A_610 = arith.subf %get3A_27, %gather3A_606 : vector<16xf32>
      %abs3A_611 = math.absf %sub3A_610 : vector<16xf32>
      %select_n3A_612 = arith.select %lt3A_598, %abs3A_611, %broadcast_in_dim3A_14 : vector<16xi1>, vector<16xf32>
      %gather3A_613 = tpu.vector_load_idx %arg11[%max3A_601] : memref<2048xi32, #tpu.memory_space<vmem>>[vector<16xi32>], vector<16xi32>,
      %shift_right_arithmetic3A_614 = arith.constant 12 : i32
      %shift_right_arithmetic3A_615 = vector.broadcast %shift_right_arithmetic3A_614 : i32 to vector<16xi32>
      %shift_right_arithmetic3A_616 = arith.shrsi %gather3A_613, %shift_right_arithmetic3A_615 : vector<16xi32>
      %and3A_617 = arith.constant 4095 : i32
      %and3A_618 = vector.broadcast %and3A_617 : i32 to vector<16xi32>
      %and3A_619 = arith.andi %gather3A_613, %and3A_618 : vector<16xi32>
      %min3A_620 = arith.minsi %and3A_619, %get3A_29 : vector<16xi32>
      %sub3A_621 = arith.subi %min3A_620, %max3A_601 : vector<16xi32>
      %add3A_622 = arith.addi %shift_right_arithmetic3A_616, %sub3A_621 : vector<16xi32>
      %gather3A_623 = tpu.vector_load_idx %arg10[%add3A_622] : memref<2048xi32, #tpu.memory_space<vmem>>[vector<16xi32>], vector<16xi32>,
      %gather3A_624 = tpu.vector_load_idx %arg10[%min3A_604] : memref<2048xi32, #tpu.memory_space<vmem>>[vector<16xi32>], vector<16xi32>,
      %lt3A_625 = arith.cmpf olt, %select_n3A_609, %select_n3A_612 : vector<16xf32>
      %eq3A_626 = arith.cmpf oeq, %select_n3A_609, %select_n3A_612 : vector<16xf32>
      %lt3A_627 = arith.cmpi slt, %gather3A_623, %gather3A_624 : vector<16xi32>
      %and3A_628 = arith.andi %eq3A_626, %lt3A_627 : vector<16xi1>
      %or3A_629 = arith.ori %lt3A_625, %and3A_628 : vector<16xi1>
      %select_n3A_630 = arith.select %or3A_629, %gather3A_623, %gather3A_624 : vector<16xi1>, vector<16xi32>
      %mul3A_631 = arith.constant 16 : i32
      %mul3A_632 = vector.broadcast %mul3A_631 : i32 to vector<16xi32>
      %mul3A_633 = arith.muli %iota3A, %mul3A_632 : vector<16xi32>
      %add3A_634 = arith.constant 11 : i32
      %add3A_635 = vector.broadcast %add3A_634 : i32 to vector<16xi32>
      %add3A_636 = arith.addi %mul3A_633, %add3A_635 : vector<16xi32>
      tpu.vector_store_idx %arg12[%add3A_636], %select_n3A_630 : memref<256xi32, #tpu.memory_space<vmem>>[vector<16xi32>], vector<16xi32>,
      %sub3A_637 = arith.constant 1 : i32
      %sub3A_638 = vector.broadcast %sub3A_637 : i32 to vector<16xi32>
      %sub3A_639 = arith.subi %select_n3A_588, %sub3A_638 : vector<16xi32>
      %select_n3A_640 = arith.select %or3A_629, %sub3A_639, %select_n3A_588 : vector<16xi1>, vector<16xi32>
      %add3A_641 = arith.constant 1 : i32
      %add3A_642 = vector.broadcast %add3A_641 : i32 to vector<16xi32>
      %add3A_643 = arith.addi %select_n3A_592, %add3A_642 : vector<16xi32>
      %select_n3A_644 = arith.select %or3A_629, %select_n3A_592, %add3A_643 : vector<16xi1>, vector<16xi32>
      %ge3A_645 = arith.constant 0 : i32
      %ge3A_646 = vector.broadcast %ge3A_645 : i32 to vector<16xi32>
      %ge3A_647 = arith.cmpi sge, %select_n3A_640, %ge3A_646 : vector<16xi32>
      %lt3A_648 = arith.constant 2048 : i32
      %lt3A_649 = vector.broadcast %lt3A_648 : i32 to vector<16xi32>
      %lt3A_650 = arith.cmpi slt, %select_n3A_644, %lt3A_649 : vector<16xi32>
      %max3A_651 = arith.constant 0 : i32
      %max3A_652 = vector.broadcast %max3A_651 : i32 to vector<16xi32>
      %max3A_653 = arith.maxsi %select_n3A_640, %max3A_652 : vector<16xi32>
      %min3A_654 = arith.constant 2047 : i32
      %min3A_655 = vector.broadcast %min3A_654 : i32 to vector<16xi32>
      %min3A_656 = arith.minsi %select_n3A_644, %min3A_655 : vector<16xi32>
      %gather3A_657 = tpu.vector_load_idx %arg9[%max3A_653] : memref<2048xf32, #tpu.memory_space<vmem>>[vector<16xi32>], vector<16xf32>,
      %gather3A_658 = tpu.vector_load_idx %arg9[%min3A_656] : memref<2048xf32, #tpu.memory_space<vmem>>[vector<16xi32>], vector<16xf32>,
      %sub3A_659 = arith.subf %get3A_27, %gather3A_657 : vector<16xf32>
      %abs3A_660 = math.absf %sub3A_659 : vector<16xf32>
      %select_n3A_661 = arith.select %ge3A_647, %abs3A_660, %broadcast_in_dim3A_14 : vector<16xi1>, vector<16xf32>
      %sub3A_662 = arith.subf %get3A_27, %gather3A_658 : vector<16xf32>
      %abs3A_663 = math.absf %sub3A_662 : vector<16xf32>
      %select_n3A_664 = arith.select %lt3A_650, %abs3A_663, %broadcast_in_dim3A_14 : vector<16xi1>, vector<16xf32>
      %gather3A_665 = tpu.vector_load_idx %arg11[%max3A_653] : memref<2048xi32, #tpu.memory_space<vmem>>[vector<16xi32>], vector<16xi32>,
      %shift_right_arithmetic3A_666 = arith.constant 12 : i32
      %shift_right_arithmetic3A_667 = vector.broadcast %shift_right_arithmetic3A_666 : i32 to vector<16xi32>
      %shift_right_arithmetic3A_668 = arith.shrsi %gather3A_665, %shift_right_arithmetic3A_667 : vector<16xi32>
      %and3A_669 = arith.constant 4095 : i32
      %and3A_670 = vector.broadcast %and3A_669 : i32 to vector<16xi32>
      %and3A_671 = arith.andi %gather3A_665, %and3A_670 : vector<16xi32>
      %min3A_672 = arith.minsi %and3A_671, %get3A_29 : vector<16xi32>
      %sub3A_673 = arith.subi %min3A_672, %max3A_653 : vector<16xi32>
      %add3A_674 = arith.addi %shift_right_arithmetic3A_668, %sub3A_673 : vector<16xi32>
      %gather3A_675 = tpu.vector_load_idx %arg10[%add3A_674] : memref<2048xi32, #tpu.memory_space<vmem>>[vector<16xi32>], vector<16xi32>,
      %gather3A_676 = tpu.vector_load_idx %arg10[%min3A_656] : memref<2048xi32, #tpu.memory_space<vmem>>[vector<16xi32>], vector<16xi32>,
      %lt3A_677 = arith.cmpf olt, %select_n3A_661, %select_n3A_664 : vector<16xf32>
      %eq3A_678 = arith.cmpf oeq, %select_n3A_661, %select_n3A_664 : vector<16xf32>
      %lt3A_679 = arith.cmpi slt, %gather3A_675, %gather3A_676 : vector<16xi32>
      %and3A_680 = arith.andi %eq3A_678, %lt3A_679 : vector<16xi1>
      %or3A_681 = arith.ori %lt3A_677, %and3A_680 : vector<16xi1>
      %select_n3A_682 = arith.select %or3A_681, %gather3A_675, %gather3A_676 : vector<16xi1>, vector<16xi32>
      %mul3A_683 = arith.constant 16 : i32
      %mul3A_684 = vector.broadcast %mul3A_683 : i32 to vector<16xi32>
      %mul3A_685 = arith.muli %iota3A, %mul3A_684 : vector<16xi32>
      %add3A_686 = arith.constant 12 : i32
      %add3A_687 = vector.broadcast %add3A_686 : i32 to vector<16xi32>
      %add3A_688 = arith.addi %mul3A_685, %add3A_687 : vector<16xi32>
      tpu.vector_store_idx %arg12[%add3A_688], %select_n3A_682 : memref<256xi32, #tpu.memory_space<vmem>>[vector<16xi32>], vector<16xi32>,
      %sub3A_689 = arith.constant 1 : i32
      %sub3A_690 = vector.broadcast %sub3A_689 : i32 to vector<16xi32>
      %sub3A_691 = arith.subi %select_n3A_640, %sub3A_690 : vector<16xi32>
      %select_n3A_692 = arith.select %or3A_681, %sub3A_691, %select_n3A_640 : vector<16xi1>, vector<16xi32>
      %add3A_693 = arith.constant 1 : i32
      %add3A_694 = vector.broadcast %add3A_693 : i32 to vector<16xi32>
      %add3A_695 = arith.addi %select_n3A_644, %add3A_694 : vector<16xi32>
      %select_n3A_696 = arith.select %or3A_681, %select_n3A_644, %add3A_695 : vector<16xi1>, vector<16xi32>
      %ge3A_697 = arith.constant 0 : i32
      %ge3A_698 = vector.broadcast %ge3A_697 : i32 to vector<16xi32>
      %ge3A_699 = arith.cmpi sge, %select_n3A_692, %ge3A_698 : vector<16xi32>
      %lt3A_700 = arith.constant 2048 : i32
      %lt3A_701 = vector.broadcast %lt3A_700 : i32 to vector<16xi32>
      %lt3A_702 = arith.cmpi slt, %select_n3A_696, %lt3A_701 : vector<16xi32>
      %max3A_703 = arith.constant 0 : i32
      %max3A_704 = vector.broadcast %max3A_703 : i32 to vector<16xi32>
      %max3A_705 = arith.maxsi %select_n3A_692, %max3A_704 : vector<16xi32>
      %min3A_706 = arith.constant 2047 : i32
      %min3A_707 = vector.broadcast %min3A_706 : i32 to vector<16xi32>
      %min3A_708 = arith.minsi %select_n3A_696, %min3A_707 : vector<16xi32>
      %gather3A_709 = tpu.vector_load_idx %arg9[%max3A_705] : memref<2048xf32, #tpu.memory_space<vmem>>[vector<16xi32>], vector<16xf32>,
      %gather3A_710 = tpu.vector_load_idx %arg9[%min3A_708] : memref<2048xf32, #tpu.memory_space<vmem>>[vector<16xi32>], vector<16xf32>,
      %sub3A_711 = arith.subf %get3A_27, %gather3A_709 : vector<16xf32>
      %abs3A_712 = math.absf %sub3A_711 : vector<16xf32>
      %select_n3A_713 = arith.select %ge3A_699, %abs3A_712, %broadcast_in_dim3A_14 : vector<16xi1>, vector<16xf32>
      %sub3A_714 = arith.subf %get3A_27, %gather3A_710 : vector<16xf32>
      %abs3A_715 = math.absf %sub3A_714 : vector<16xf32>
      %select_n3A_716 = arith.select %lt3A_702, %abs3A_715, %broadcast_in_dim3A_14 : vector<16xi1>, vector<16xf32>
      %gather3A_717 = tpu.vector_load_idx %arg11[%max3A_705] : memref<2048xi32, #tpu.memory_space<vmem>>[vector<16xi32>], vector<16xi32>,
      %shift_right_arithmetic3A_718 = arith.constant 12 : i32
      %shift_right_arithmetic3A_719 = vector.broadcast %shift_right_arithmetic3A_718 : i32 to vector<16xi32>
      %shift_right_arithmetic3A_720 = arith.shrsi %gather3A_717, %shift_right_arithmetic3A_719 : vector<16xi32>
      %and3A_721 = arith.constant 4095 : i32
      %and3A_722 = vector.broadcast %and3A_721 : i32 to vector<16xi32>
      %and3A_723 = arith.andi %gather3A_717, %and3A_722 : vector<16xi32>
      %min3A_724 = arith.minsi %and3A_723, %get3A_29 : vector<16xi32>
      %sub3A_725 = arith.subi %min3A_724, %max3A_705 : vector<16xi32>
      %add3A_726 = arith.addi %shift_right_arithmetic3A_720, %sub3A_725 : vector<16xi32>
      %gather3A_727 = tpu.vector_load_idx %arg10[%add3A_726] : memref<2048xi32, #tpu.memory_space<vmem>>[vector<16xi32>], vector<16xi32>,
      %gather3A_728 = tpu.vector_load_idx %arg10[%min3A_708] : memref<2048xi32, #tpu.memory_space<vmem>>[vector<16xi32>], vector<16xi32>,
      %lt3A_729 = arith.cmpf olt, %select_n3A_713, %select_n3A_716 : vector<16xf32>
      %eq3A_730 = arith.cmpf oeq, %select_n3A_713, %select_n3A_716 : vector<16xf32>
      %lt3A_731 = arith.cmpi slt, %gather3A_727, %gather3A_728 : vector<16xi32>
      %and3A_732 = arith.andi %eq3A_730, %lt3A_731 : vector<16xi1>
      %or3A_733 = arith.ori %lt3A_729, %and3A_732 : vector<16xi1>
      %select_n3A_734 = arith.select %or3A_733, %gather3A_727, %gather3A_728 : vector<16xi1>, vector<16xi32>
      %mul3A_735 = arith.constant 16 : i32
      %mul3A_736 = vector.broadcast %mul3A_735 : i32 to vector<16xi32>
      %mul3A_737 = arith.muli %iota3A, %mul3A_736 : vector<16xi32>
      %add3A_738 = arith.constant 13 : i32
      %add3A_739 = vector.broadcast %add3A_738 : i32 to vector<16xi32>
      %add3A_740 = arith.addi %mul3A_737, %add3A_739 : vector<16xi32>
      tpu.vector_store_idx %arg12[%add3A_740], %select_n3A_734 : memref<256xi32, #tpu.memory_space<vmem>>[vector<16xi32>], vector<16xi32>,
      %sub3A_741 = arith.constant 1 : i32
      %sub3A_742 = vector.broadcast %sub3A_741 : i32 to vector<16xi32>
      %sub3A_743 = arith.subi %select_n3A_692, %sub3A_742 : vector<16xi32>
      %select_n3A_744 = arith.select %or3A_733, %sub3A_743, %select_n3A_692 : vector<16xi1>, vector<16xi32>
      %add3A_745 = arith.constant 1 : i32
      %add3A_746 = vector.broadcast %add3A_745 : i32 to vector<16xi32>
      %add3A_747 = arith.addi %select_n3A_696, %add3A_746 : vector<16xi32>
      %select_n3A_748 = arith.select %or3A_733, %select_n3A_696, %add3A_747 : vector<16xi1>, vector<16xi32>
      %ge3A_749 = arith.constant 0 : i32
      %ge3A_750 = vector.broadcast %ge3A_749 : i32 to vector<16xi32>
      %ge3A_751 = arith.cmpi sge, %select_n3A_744, %ge3A_750 : vector<16xi32>
      %lt3A_752 = arith.constant 2048 : i32
      %lt3A_753 = vector.broadcast %lt3A_752 : i32 to vector<16xi32>
      %lt3A_754 = arith.cmpi slt, %select_n3A_748, %lt3A_753 : vector<16xi32>
      %max3A_755 = arith.constant 0 : i32
      %max3A_756 = vector.broadcast %max3A_755 : i32 to vector<16xi32>
      %max3A_757 = arith.maxsi %select_n3A_744, %max3A_756 : vector<16xi32>
      %min3A_758 = arith.constant 2047 : i32
      %min3A_759 = vector.broadcast %min3A_758 : i32 to vector<16xi32>
      %min3A_760 = arith.minsi %select_n3A_748, %min3A_759 : vector<16xi32>
      %gather3A_761 = tpu.vector_load_idx %arg9[%max3A_757] : memref<2048xf32, #tpu.memory_space<vmem>>[vector<16xi32>], vector<16xf32>,
      %gather3A_762 = tpu.vector_load_idx %arg9[%min3A_760] : memref<2048xf32, #tpu.memory_space<vmem>>[vector<16xi32>], vector<16xf32>,
      %sub3A_763 = arith.subf %get3A_27, %gather3A_761 : vector<16xf32>
      %abs3A_764 = math.absf %sub3A_763 : vector<16xf32>
      %select_n3A_765 = arith.select %ge3A_751, %abs3A_764, %broadcast_in_dim3A_14 : vector<16xi1>, vector<16xf32>
      %sub3A_766 = arith.subf %get3A_27, %gather3A_762 : vector<16xf32>
      %abs3A_767 = math.absf %sub3A_766 : vector<16xf32>
      %select_n3A_768 = arith.select %lt3A_754, %abs3A_767, %broadcast_in_dim3A_14 : vector<16xi1>, vector<16xf32>
      %gather3A_769 = tpu.vector_load_idx %arg11[%max3A_757] : memref<2048xi32, #tpu.memory_space<vmem>>[vector<16xi32>], vector<16xi32>,
      %shift_right_arithmetic3A_770 = arith.constant 12 : i32
      %shift_right_arithmetic3A_771 = vector.broadcast %shift_right_arithmetic3A_770 : i32 to vector<16xi32>
      %shift_right_arithmetic3A_772 = arith.shrsi %gather3A_769, %shift_right_arithmetic3A_771 : vector<16xi32>
      %and3A_773 = arith.constant 4095 : i32
      %and3A_774 = vector.broadcast %and3A_773 : i32 to vector<16xi32>
      %and3A_775 = arith.andi %gather3A_769, %and3A_774 : vector<16xi32>
      %min3A_776 = arith.minsi %and3A_775, %get3A_29 : vector<16xi32>
      %sub3A_777 = arith.subi %min3A_776, %max3A_757 : vector<16xi32>
      %add3A_778 = arith.addi %shift_right_arithmetic3A_772, %sub3A_777 : vector<16xi32>
      %gather3A_779 = tpu.vector_load_idx %arg10[%add3A_778] : memref<2048xi32, #tpu.memory_space<vmem>>[vector<16xi32>], vector<16xi32>,
      %gather3A_780 = tpu.vector_load_idx %arg10[%min3A_760] : memref<2048xi32, #tpu.memory_space<vmem>>[vector<16xi32>], vector<16xi32>,
      %lt3A_781 = arith.cmpf olt, %select_n3A_765, %select_n3A_768 : vector<16xf32>
      %eq3A_782 = arith.cmpf oeq, %select_n3A_765, %select_n3A_768 : vector<16xf32>
      %lt3A_783 = arith.cmpi slt, %gather3A_779, %gather3A_780 : vector<16xi32>
      %and3A_784 = arith.andi %eq3A_782, %lt3A_783 : vector<16xi1>
      %or3A_785 = arith.ori %lt3A_781, %and3A_784 : vector<16xi1>
      %select_n3A_786 = arith.select %or3A_785, %gather3A_779, %gather3A_780 : vector<16xi1>, vector<16xi32>
      %mul3A_787 = arith.constant 16 : i32
      %mul3A_788 = vector.broadcast %mul3A_787 : i32 to vector<16xi32>
      %mul3A_789 = arith.muli %iota3A, %mul3A_788 : vector<16xi32>
      %add3A_790 = arith.constant 14 : i32
      %add3A_791 = vector.broadcast %add3A_790 : i32 to vector<16xi32>
      %add3A_792 = arith.addi %mul3A_789, %add3A_791 : vector<16xi32>
      tpu.vector_store_idx %arg12[%add3A_792], %select_n3A_786 : memref<256xi32, #tpu.memory_space<vmem>>[vector<16xi32>], vector<16xi32>,
      %sub3A_793 = arith.constant 1 : i32
      %sub3A_794 = vector.broadcast %sub3A_793 : i32 to vector<16xi32>
      %sub3A_795 = arith.subi %select_n3A_744, %sub3A_794 : vector<16xi32>
      %select_n3A_796 = arith.select %or3A_785, %sub3A_795, %select_n3A_744 : vector<16xi1>, vector<16xi32>
      %add3A_797 = arith.constant 1 : i32
      %add3A_798 = vector.broadcast %add3A_797 : i32 to vector<16xi32>
      %add3A_799 = arith.addi %select_n3A_748, %add3A_798 : vector<16xi32>
      %select_n3A_800 = arith.select %or3A_785, %select_n3A_748, %add3A_799 : vector<16xi1>, vector<16xi32>
      %ge3A_801 = arith.constant 0 : i32
      %ge3A_802 = vector.broadcast %ge3A_801 : i32 to vector<16xi32>
      %ge3A_803 = arith.cmpi sge, %select_n3A_796, %ge3A_802 : vector<16xi32>
      %lt3A_804 = arith.constant 2048 : i32
      %lt3A_805 = vector.broadcast %lt3A_804 : i32 to vector<16xi32>
      %lt3A_806 = arith.cmpi slt, %select_n3A_800, %lt3A_805 : vector<16xi32>
      %max3A_807 = arith.constant 0 : i32
      %max3A_808 = vector.broadcast %max3A_807 : i32 to vector<16xi32>
      %max3A_809 = arith.maxsi %select_n3A_796, %max3A_808 : vector<16xi32>
      %min3A_810 = arith.constant 2047 : i32
      %min3A_811 = vector.broadcast %min3A_810 : i32 to vector<16xi32>
      %min3A_812 = arith.minsi %select_n3A_800, %min3A_811 : vector<16xi32>
      %gather3A_813 = tpu.vector_load_idx %arg9[%max3A_809] : memref<2048xf32, #tpu.memory_space<vmem>>[vector<16xi32>], vector<16xf32>,
      %gather3A_814 = tpu.vector_load_idx %arg9[%min3A_812] : memref<2048xf32, #tpu.memory_space<vmem>>[vector<16xi32>], vector<16xf32>,
      %sub3A_815 = arith.subf %get3A_27, %gather3A_813 : vector<16xf32>
      %abs3A_816 = math.absf %sub3A_815 : vector<16xf32>
      %select_n3A_817 = arith.select %ge3A_803, %abs3A_816, %broadcast_in_dim3A_14 : vector<16xi1>, vector<16xf32>
      %sub3A_818 = arith.subf %get3A_27, %gather3A_814 : vector<16xf32>
      %abs3A_819 = math.absf %sub3A_818 : vector<16xf32>
      %select_n3A_820 = arith.select %lt3A_806, %abs3A_819, %broadcast_in_dim3A_14 : vector<16xi1>, vector<16xf32>
      %gather3A_821 = tpu.vector_load_idx %arg11[%max3A_809] : memref<2048xi32, #tpu.memory_space<vmem>>[vector<16xi32>], vector<16xi32>,
      %shift_right_arithmetic3A_822 = arith.constant 12 : i32
      %shift_right_arithmetic3A_823 = vector.broadcast %shift_right_arithmetic3A_822 : i32 to vector<16xi32>
      %shift_right_arithmetic3A_824 = arith.shrsi %gather3A_821, %shift_right_arithmetic3A_823 : vector<16xi32>
      %and3A_825 = arith.constant 4095 : i32
      %and3A_826 = vector.broadcast %and3A_825 : i32 to vector<16xi32>
      %and3A_827 = arith.andi %gather3A_821, %and3A_826 : vector<16xi32>
      %min3A_828 = arith.minsi %and3A_827, %get3A_29 : vector<16xi32>
      %sub3A_829 = arith.subi %min3A_828, %max3A_809 : vector<16xi32>
      %add3A_830 = arith.addi %shift_right_arithmetic3A_824, %sub3A_829 : vector<16xi32>
      %gather3A_831 = tpu.vector_load_idx %arg10[%add3A_830] : memref<2048xi32, #tpu.memory_space<vmem>>[vector<16xi32>], vector<16xi32>,
      %gather3A_832 = tpu.vector_load_idx %arg10[%min3A_812] : memref<2048xi32, #tpu.memory_space<vmem>>[vector<16xi32>], vector<16xi32>,
      %lt3A_833 = arith.cmpf olt, %select_n3A_817, %select_n3A_820 : vector<16xf32>
      %eq3A_834 = arith.cmpf oeq, %select_n3A_817, %select_n3A_820 : vector<16xf32>
      %lt3A_835 = arith.cmpi slt, %gather3A_831, %gather3A_832 : vector<16xi32>
      %and3A_836 = arith.andi %eq3A_834, %lt3A_835 : vector<16xi1>
      %or3A_837 = arith.ori %lt3A_833, %and3A_836 : vector<16xi1>
      %select_n3A_838 = arith.select %or3A_837, %gather3A_831, %gather3A_832 : vector<16xi1>, vector<16xi32>
      %mul3A_839 = arith.constant 16 : i32
      %mul3A_840 = vector.broadcast %mul3A_839 : i32 to vector<16xi32>
      %mul3A_841 = arith.muli %iota3A, %mul3A_840 : vector<16xi32>
      %add3A_842 = arith.constant 15 : i32
      %add3A_843 = vector.broadcast %add3A_842 : i32 to vector<16xi32>
      %add3A_844 = arith.addi %mul3A_841, %add3A_843 : vector<16xi32>
      tpu.vector_store_idx %arg12[%add3A_844], %select_n3A_838 : memref<256xi32, #tpu.memory_space<vmem>>[vector<16xi32>], vector<16xi32>,
      %sub3A_845 = arith.constant 1 : i32
      %sub3A_846 = vector.broadcast %sub3A_845 : i32 to vector<16xi32>
      %sub3A_847 = arith.subi %select_n3A_796, %sub3A_846 : vector<16xi32>
      %select_n3A_848 = arith.select %or3A_837, %sub3A_847, %select_n3A_796 : vector<16xi1>, vector<16xi32>
      %add3A_849 = arith.constant 1 : i32
      %add3A_850 = vector.broadcast %add3A_849 : i32 to vector<16xi32>
      %add3A_851 = arith.addi %select_n3A_800, %add3A_850 : vector<16xi32>
      %select_n3A_852 = arith.select %or3A_837, %select_n3A_800, %add3A_851 : vector<16xi1>, vector<16xi32>
      %mul3A_853 = arith.constant 2048 : i32
      %mul3A_854 = arith.muli %rem3A_1, %mul3A_853 : i32
      %add3A_855 = arith.addi %mul3A_854, %add3A_26 : i32
      %mul3A_856 = arith.constant 16 : i32
      %mul3A_857 = arith.muli %add3A_855, %mul3A_856 : i32
      "tpu.region"() ({
        %run_scoped3A = tpu.sem_alloc : memref<!tpu.dma_semaphore, #tpu.memory_space<semaphore_mem>>
        %dma_start3A = tpu.memref_slice %arg5[%mul3A_857] : memref<131072xi32, #tpu.memory_space<hbm>> -> memref<256xi32, #tpu.memory_space<hbm>>
        %dma_start3A_858 = tpu.memref_slice %arg5[%mul3A_857] : memref<131072xi32, #tpu.memory_space<hbm>> -> memref<256xi32, #tpu.memory_space<hbm>>
        tpu.enqueue_dma source(%arg12 : memref<256xi32, #tpu.memory_space<vmem>>) target(%dma_start3A_858 : memref<256xi32, #tpu.memory_space<hbm>>) target_semaphore(%run_scoped3A : memref<!tpu.dma_semaphore, #tpu.memory_space<semaphore_mem>>)
        %dma_wait3A = tpu.memref_slice %arg5[%mul3A_857] : memref<131072xi32, #tpu.memory_space<hbm>> -> memref<256xi32, #tpu.memory_space<hbm>>
        %dma_wait3A_859 = tpu.memref_slice %arg5[%mul3A_857] : memref<131072xi32, #tpu.memory_space<hbm>> -> memref<256xi32, #tpu.memory_space<hbm>>
        tpu.wait_dma2 semaphore(%run_scoped3A : memref<!tpu.dma_semaphore, #tpu.memory_space<semaphore_mem>>) src(%arg12 : memref<256xi32, #tpu.memory_space<vmem>>) dst(%dma_wait3A_859 : memref<256xi32, #tpu.memory_space<hbm>>)
        tpu.yield
      }) : () -> ()
    }
    %scan3A_20 = arith.constant 16 : i32
    return
  }
}

module attributes {stable_mosaic.version = 14 : i64} {
  func.func @_scores_body(%arg0: i32, %arg1: memref<1x2048x256xf32, #tpu.memory_space<vmem>>, %arg2: memref<256x256xf32, #tpu.memory_space<vmem>>, %arg3: memref<256xf32, #tpu.memory_space<vmem>>, %arg4: memref<256x256xf32, #tpu.memory_space<vmem>>, %arg5: memref<256xf32, #tpu.memory_space<vmem>>, %arg6: memref<256x1xf32, #tpu.memory_space<vmem>>, %arg7: memref<1xf32, #tpu.memory_space<vmem>>, %arg8: memref<1x2048x1xf32, #tpu.memory_space<vmem>>) attributes {dimension_semantics = [#tpu.dimension_semantics<arbitrary>], iteration_bounds = array<i64: 4>, scalar_prefetch = 0 : i64, scratch_operands = 0 : i64, tpu.core_type = #tpu.core_type<tc>, window_params = [{transform_indices = @transform_0, window_bounds = array<i64: 1, 2048, 256>}, {pipeline_mode = #tpu.pipeline_mode<synchronous>, transform_indices = @transform_1, window_bounds = array<i64: 256, 256>}, {pipeline_mode = #tpu.pipeline_mode<synchronous>, transform_indices = @transform_2, window_bounds = array<i64: 256>}, {pipeline_mode = #tpu.pipeline_mode<synchronous>, transform_indices = @transform_3, window_bounds = array<i64: 256, 256>}, {pipeline_mode = #tpu.pipeline_mode<synchronous>, transform_indices = @transform_4, window_bounds = array<i64: 256>}, {pipeline_mode = #tpu.pipeline_mode<synchronous>, transform_indices = @transform_5, window_bounds = array<i64: 256, 1>}, {pipeline_mode = #tpu.pipeline_mode<synchronous>, transform_indices = @transform_6, window_bounds = array<i64: 1>}, {transform_indices = @transform_7, window_bounds = array<i64: 1, 2048, 1>}]} {
    %get3A = arith.constant 0 : index
    %get3A_0 = arith.constant 0 : index
    %get3A_1 = arith.constant 0 : index
    %get3A_2 = vector.load %arg1[%get3A, %get3A_0, %get3A_1] : memref<1x2048x256xf32, #tpu.memory_space<vmem>>, vector<1x2048x256xf32>
    %get3A_3 = vector.shape_cast %get3A_2 : vector<1x2048x256xf32> to vector<2048x256xf32>
    %get3A_4 = arith.constant 0 : index
    %get3A_5 = arith.constant 0 : index
    %get3A_6 = vector.load %arg2[%get3A_4, %get3A_5] : memref<256x256xf32, #tpu.memory_space<vmem>>, vector<256x256xf32>
    %dot_general3A = arith.constant dense<0.000000e+00> : vector<2048x256xf32>
    %dot_general3A_7 = tpu.matmul %get3A_3, %get3A_6, %dot_general3A {dimension_numbers = #tpu.dot_dimension_numbers<[1], [0], [0], [1], [0, 0, 1, 1], [], []>, transpose_lhs_hint = false} : vector<2048x256xf32>, vector<256x256xf32>, vector<2048x256xf32> -> vector<2048x256xf32>
    %get3A_8 = arith.constant 0 : index
    %get3A_9 = vector.load %arg3[%get3A_8] : memref<256xf32, #tpu.memory_space<vmem>>, vector<256xf32>
    %broadcast_in_dim3A = vector.shape_cast %get3A_9 : vector<256xf32> to vector<1x256xf32>
    %add3A = vector.broadcast %broadcast_in_dim3A : vector<1x256xf32> to vector<2048x256xf32>
    %add3A_10 = arith.addf %dot_general3A_7, %add3A : vector<2048x256xf32>
    %tanh3A = math.tanh %add3A_10 : vector<2048x256xf32>
    %get3A_11 = arith.constant 0 : index
    %get3A_12 = arith.constant 0 : index
    %get3A_13 = vector.load %arg4[%get3A_11, %get3A_12] : memref<256x256xf32, #tpu.memory_space<vmem>>, vector<256x256xf32>
    %dot_general3A_14 = arith.constant dense<0.000000e+00> : vector<2048x256xf32>
    %dot_general3A_15 = tpu.matmul %get3A_3, %get3A_13, %dot_general3A_14 {dimension_numbers = #tpu.dot_dimension_numbers<[1], [0], [0], [1], [0, 0, 1, 1], [], []>, transpose_lhs_hint = false} : vector<2048x256xf32>, vector<256x256xf32>, vector<2048x256xf32> -> vector<2048x256xf32>
    %get3A_16 = arith.constant 0 : index
    %get3A_17 = vector.load %arg5[%get3A_16] : memref<256xf32, #tpu.memory_space<vmem>>, vector<256xf32>
    %broadcast_in_dim3A_18 = vector.shape_cast %get3A_17 : vector<256xf32> to vector<1x256xf32>
    %add3A_19 = vector.broadcast %broadcast_in_dim3A_18 : vector<1x256xf32> to vector<2048x256xf32>
    %add3A_20 = arith.addf %dot_general3A_15, %add3A_19 : vector<2048x256xf32>
    %logistic3A = arith.negf %add3A_20 : vector<2048x256xf32>
    %logistic3A_21 = math.exp %logistic3A : vector<2048x256xf32>
    %logistic3A_22 = arith.constant 1.000000e+00 : f32
    %logistic3A_23 = vector.broadcast %logistic3A_22 : f32 to vector<2048x256xf32>
    %logistic3A_24 = arith.addf %logistic3A_23, %logistic3A_21 : vector<2048x256xf32>
    %logistic3A_25 = arith.divf %logistic3A_23, %logistic3A_24 : vector<2048x256xf32>
    %mul3A = arith.mulf %tanh3A, %logistic3A_25 : vector<2048x256xf32>
    %get3A_26 = arith.constant 0 : index
    %get3A_27 = arith.constant 0 : index
    %get3A_28 = vector.load %arg6[%get3A_26, %get3A_27] : memref<256x1xf32, #tpu.memory_space<vmem>>, vector<256x1xf32>
    %dot_general3A_29 = arith.constant dense<0.000000e+00> : vector<2048x1xf32>
    %dot_general3A_30 = tpu.matmul %mul3A, %get3A_28, %dot_general3A_29 {dimension_numbers = #tpu.dot_dimension_numbers<[1], [0], [0], [1], [0, 0, 1, 1], [], []>, transpose_lhs_hint = false} : vector<2048x256xf32>, vector<256x1xf32>, vector<2048x1xf32> -> vector<2048x1xf32>
    %get3A_31 = arith.constant 0 : index
    %get3A_32 = vector.load %arg7[%get3A_31] : memref<1xf32, #tpu.memory_space<vmem>>, vector<1xf32>
    %broadcast_in_dim3A_33 = vector.shape_cast %get3A_32 : vector<1xf32> to vector<1x1xf32>
    %add3A_34 = vector.broadcast %broadcast_in_dim3A_33 : vector<1x1xf32> to vector<2048x1xf32>
    %add3A_35 = arith.addf %dot_general3A_30, %add3A_34 : vector<2048x1xf32>
    %reduce_max3A = arith.constant dense<0xFF800000> : vector<1xf32>
    %reduce_max3A_36 = vector.multi_reduction <maximumf>, %add3A_35, %reduce_max3A [0] : vector<2048x1xf32> to vector<1xf32>
    %broadcast_in_dim3A_37 = vector.shape_cast %reduce_max3A_36 : vector<1xf32> to vector<1x1xf32>
    %sub3A = vector.broadcast %broadcast_in_dim3A_37 : vector<1x1xf32> to vector<2048x1xf32>
    %sub3A_38 = arith.subf %add3A_35, %sub3A : vector<2048x1xf32>
    %exp3A = math.exp %sub3A_38 : vector<2048x1xf32>
    %reduce_sum3A = arith.constant dense<0.000000e+00> : vector<1xf32>
    %reduce_sum3A_39 = vector.multi_reduction <add>, %exp3A, %reduce_sum3A [0] : vector<2048x1xf32> to vector<1xf32>
    %broadcast_in_dim3A_40 = vector.shape_cast %reduce_sum3A_39 : vector<1xf32> to vector<1x1xf32>
    %div3A = vector.broadcast %broadcast_in_dim3A_40 : vector<1x1xf32> to vector<2048x1xf32>
    %div3A_41 = arith.divf %exp3A, %div3A : vector<2048x1xf32>
    %broadcast_in_dim3A_42 = vector.shape_cast %div3A_41 : vector<2048x1xf32> to vector<1x2048x1xf32>
    %swap3A = arith.constant 0 : index
    %swap3A_43 = arith.constant 0 : index
    %swap3A_44 = arith.constant 0 : index
    %swap3A_45 = vector.load %arg8[%swap3A, %swap3A_43, %swap3A_44] : memref<1x2048x1xf32, #tpu.memory_space<vmem>>, vector<1x2048x1xf32>
    tpu.vector_store %arg8[%swap3A, %swap3A_43, %swap3A_44], %broadcast_in_dim3A_42 {strides = array<i32>} : memref<1x2048x1xf32, #tpu.memory_space<vmem>>, vector<1x2048x1xf32>,
    return
  }
  func.func @transform_0(%arg0: i32) -> (i32, i32, i32) {
    %c0_i32 = arith.constant 0 : i32
    %c0_i32_0 = arith.constant 0 : i32
    %c0_i32_1 = arith.constant 0 : i32
    return %arg0, %c0_i32, %c0_i32_0 : i32, i32, i32
  }
  func.func @transform_1(%arg0: i32) -> (i32, i32) {
    %c0_i32 = arith.constant 0 : i32
    %c0_i32_0 = arith.constant 0 : i32
    %c0_i32_1 = arith.constant 0 : i32
    return %c0_i32, %c0_i32_0 : i32, i32
  }
  func.func @transform_2(%arg0: i32) -> i32 {
    %c0_i32 = arith.constant 0 : i32
    %c0_i32_0 = arith.constant 0 : i32
    return %c0_i32 : i32
  }
  func.func @transform_3(%arg0: i32) -> (i32, i32) {
    %c0_i32 = arith.constant 0 : i32
    %c0_i32_0 = arith.constant 0 : i32
    %c0_i32_1 = arith.constant 0 : i32
    return %c0_i32, %c0_i32_0 : i32, i32
  }
  func.func @transform_4(%arg0: i32) -> i32 {
    %c0_i32 = arith.constant 0 : i32
    %c0_i32_0 = arith.constant 0 : i32
    return %c0_i32 : i32
  }
  func.func @transform_5(%arg0: i32) -> (i32, i32) {
    %c0_i32 = arith.constant 0 : i32
    %c0_i32_0 = arith.constant 0 : i32
    %c0_i32_1 = arith.constant 0 : i32
    return %c0_i32, %c0_i32_0 : i32, i32
  }
  func.func @transform_6(%arg0: i32) -> i32 {
    %c0_i32 = arith.constant 0 : i32
    %c0_i32_0 = arith.constant 0 : i32
    return %c0_i32 : i32
  }
  func.func @transform_7(%arg0: i32) -> (i32, i32, i32) {
    %c0_i32 = arith.constant 0 : i32
    %c0_i32_0 = arith.constant 0 : i32
    %c0_i32_1 = arith.constant 0 : i32
    return %arg0, %c0_i32, %c0_i32_0 : i32, i32, i32
  }
}

module attributes {stable_mosaic.version = 14 : i64} {
  func.func @_ranks_body(%arg0: i32, %arg1: i32, %arg2: memref<1x1024x1xf32, #tpu.memory_space<vmem>>, %arg3: memref<1x1x2048xf32, #tpu.memory_space<vmem>>, %arg4: memref<1x1024x1xi32, #tpu.memory_space<vmem>>, %arg5: memref<1x1024x1xi32, #tpu.memory_space<vmem>>) attributes {dimension_semantics = [#tpu.dimension_semantics<arbitrary>, #tpu.dimension_semantics<arbitrary>], iteration_bounds = array<i64: 4, 2>, scalar_prefetch = 0 : i64, scratch_operands = 0 : i64, tpu.core_type = #tpu.core_type<tc>, window_params = [{transform_indices = @transform_0, window_bounds = array<i64: 1, 1024, 1>}, {transform_indices = @transform_1, window_bounds = array<i64: 1, 1, 2048>}, {transform_indices = @transform_2, window_bounds = array<i64: 1, 1024, 1>}, {transform_indices = @transform_3, window_bounds = array<i64: 1, 1024, 1>}]} {
    %get3A = arith.constant 0 : index
    %get3A_0 = arith.constant 0 : index
    %get3A_1 = arith.constant 0 : index
    %get3A_2 = vector.load %arg2[%get3A, %get3A_0, %get3A_1] : memref<1x1024x1xf32, #tpu.memory_space<vmem>>, vector<1x1024x1xf32>
    %get3A_3 = vector.shape_cast %get3A_2 : vector<1x1024x1xf32> to vector<1024x1xf32>
    %get3A_4 = arith.constant 0 : index
    %get3A_5 = arith.constant 0 : index
    %get3A_6 = arith.constant 0 : index
    %get3A_7 = vector.load %arg3[%get3A_4, %get3A_5, %get3A_6] : memref<1x1x2048xf32, #tpu.memory_space<vmem>>, vector<1x1x2048xf32>
    %get3A_8 = vector.shape_cast %get3A_7 : vector<1x1x2048xf32> to vector<1x2048xf32>
    %iota3A = tpu.iota {dimensions = array<i32: 1>} : vector<1024x2048xi32>
    %iota3A_9 = tpu.iota {dimensions = array<i32: 0>} : vector<1024x2048xi32>
    %mul3A = arith.constant 1024 : i32
    %mul3A_10 = arith.muli %arg1, %mul3A : i32
    %add3A = vector.broadcast %mul3A_10 : i32 to vector<1024x2048xi32>
    %add3A_11 = arith.addi %iota3A_9, %add3A : vector<1024x2048xi32>
    %eq3A = vector.broadcast %get3A_8 : vector<1x2048xf32> to vector<1024x2048xf32>
    %eq3A_12 = vector.broadcast %get3A_3 : vector<1024x1xf32> to vector<1024x2048xf32>
    %eq3A_13 = arith.cmpf oeq, %eq3A, %eq3A_12 : vector<1024x2048xf32>
    %lt3A = vector.broadcast %get3A_8 : vector<1x2048xf32> to vector<1024x2048xf32>
    %lt3A_14 = vector.broadcast %get3A_3 : vector<1024x1xf32> to vector<1024x2048xf32>
    %lt3A_15 = arith.cmpf olt, %lt3A, %lt3A_14 : vector<1024x2048xf32>
    %convert_element_type3A = arith.extui %lt3A_15 : vector<1024x2048xi1> to vector<1024x2048xi32>
    %lt3A_16 = arith.cmpi slt, %iota3A, %add3A_11 : vector<1024x2048xi32>
    %and3A = arith.andi %eq3A_13, %lt3A_16 : vector<1024x2048xi1>
    %convert_element_type3A_17 = arith.extui %and3A : vector<1024x2048xi1> to vector<1024x2048xi32>
    %reduce_sum3A = arith.constant dense<0> : vector<1024xi32>
    %reduce_sum3A_18 = vector.multi_reduction <add>, %convert_element_type3A, %reduce_sum3A [1] : vector<1024x2048xi32> to vector<1024xi32>
    %convert_element_type3A_19 = arith.extui %eq3A_13 : vector<1024x2048xi1> to vector<1024x2048xi32>
    %reduce_sum3A_20 = arith.constant dense<0> : vector<1024xi32>
    %reduce_sum3A_21 = vector.multi_reduction <add>, %convert_element_type3A_19, %reduce_sum3A_20 [1] : vector<1024x2048xi32> to vector<1024xi32>
    %reduce_sum3A_22 = arith.constant dense<0> : vector<1024xi32>
    %reduce_sum3A_23 = vector.multi_reduction <add>, %convert_element_type3A_17, %reduce_sum3A_22 [1] : vector<1024x2048xi32> to vector<1024xi32>
    %add3A_24 = arith.addi %reduce_sum3A_18, %reduce_sum3A_23 : vector<1024xi32>
    %broadcast_in_dim3A = vector.shape_cast %add3A_24 : vector<1024xi32> to vector<1024x1xi32>
    %swap3A = arith.constant 0 : index
    %swap3A_25 = arith.constant 0 : index
    %swap3A_26 = arith.constant 0 : index
    %swap3A_27 = vector.load %arg4[%swap3A, %swap3A_25, %swap3A_26] : memref<1x1024x1xi32, #tpu.memory_space<vmem>>, vector<1x1024x1xi32>
    %swap3A_28 = vector.shape_cast %swap3A_27 : vector<1x1024x1xi32> to vector<1024x1xi32>
    %swap3A_29 = vector.shape_cast %broadcast_in_dim3A : vector<1024x1xi32> to vector<1x1024x1xi32>
    tpu.vector_store %arg4[%swap3A, %swap3A_25, %swap3A_26], %swap3A_29 {strides = array<i32>} : memref<1x1024x1xi32, #tpu.memory_space<vmem>>, vector<1x1024x1xi32>,
    %mul3A_30 = arith.constant 4096 : i32
    %mul3A_31 = vector.broadcast %mul3A_30 : i32 to vector<1024xi32>
    %mul3A_32 = arith.muli %reduce_sum3A_18, %mul3A_31 : vector<1024xi32>
    %add3A_33 = arith.addi %reduce_sum3A_18, %reduce_sum3A_21 : vector<1024xi32>
    %sub3A = arith.constant 1 : i32
    %sub3A_34 = vector.broadcast %sub3A : i32 to vector<1024xi32>
    %sub3A_35 = arith.subi %add3A_33, %sub3A_34 : vector<1024xi32>
    %add3A_36 = arith.addi %mul3A_32, %sub3A_35 : vector<1024xi32>
    %broadcast_in_dim3A_37 = vector.shape_cast %add3A_36 : vector<1024xi32> to vector<1024x1xi32>
    %swap3A_38 = arith.constant 0 : index
    %swap3A_39 = arith.constant 0 : index
    %swap3A_40 = arith.constant 0 : index
    %swap3A_41 = vector.load %arg5[%swap3A_38, %swap3A_39, %swap3A_40] : memref<1x1024x1xi32, #tpu.memory_space<vmem>>, vector<1x1024x1xi32>
    %swap3A_42 = vector.shape_cast %swap3A_41 : vector<1x1024x1xi32> to vector<1024x1xi32>
    %swap3A_43 = vector.shape_cast %broadcast_in_dim3A_37 : vector<1024x1xi32> to vector<1x1024x1xi32>
    tpu.vector_store %arg5[%swap3A_38, %swap3A_39, %swap3A_40], %swap3A_43 {strides = array<i32>} : memref<1x1024x1xi32, #tpu.memory_space<vmem>>, vector<1x1024x1xi32>,
    return
  }
  func.func @transform_0(%arg0: i32, %arg1: i32) -> (i32, i32, i32) {
    %c0_i32 = arith.constant 0 : i32
    %c0_i32_0 = arith.constant 0 : i32
    return %arg0, %arg1, %c0_i32 : i32, i32, i32
  }
  func.func @transform_1(%arg0: i32, %arg1: i32) -> (i32, i32, i32) {
    %c0_i32 = arith.constant 0 : i32
    %c0_i32_0 = arith.constant 0 : i32
    %c0_i32_1 = arith.constant 0 : i32
    return %arg0, %c0_i32, %c0_i32_0 : i32, i32, i32
  }
  func.func @transform_2(%arg0: i32, %arg1: i32) -> (i32, i32, i32) {
    %c0_i32 = arith.constant 0 : i32
    %c0_i32_0 = arith.constant 0 : i32
    return %arg0, %arg1, %c0_i32 : i32, i32, i32
  }
  func.func @transform_3(%arg0: i32, %arg1: i32) -> (i32, i32, i32) {
    %c0_i32 = arith.constant 0 : i32
    %c0_i32_0 = arith.constant 0 : i32
    return %arg0, %arg1, %c0_i32 : i32, i32, i32
  }
}

</mosaic_0001>

<sc_bundles>
// kernel: kernel.5.cloned.1.call-start
scs
__scs_entry_jumppad:
0x0: {  	(pc) =	sbr.rel $0x88, $3  }
0x1: {  	(tag) =	ssettag $0x0;
	lr =	simm.s32 $0x1  }
0x2: {  	[smem:$0x3F9A] =	sst lr;
	_ =	strace $0xD0000000  }
0x3: {  	_ = 	snop  }
0x4: {  	_ = 	snop  }
0x5: {  	_ = 	snop  }
0x6: {  	_ = 	snop  }
0x7: {  	_ = 	snop  }
__scs_overlays_trampoline_lowered:
0x8: {  	[smem:$0x3FA9] =	sst s0  }
0x9: {  	[smem:$0x3FAA] =	sst s1  }
0xa: {  	[smem:$0x3FAB] =	sst s2  }
0xb: {  	[smem:$0x3FAC] =	sst s3  }
0xc: {  	[smem:$0x3FAD] =	sst s4  }
0xd: {  	[smem:$0x3FAE] =	sst s5  }
0xe: {  	[smem:$0x3FAF] =	sst s6  }
0xf: {  	[smem:$0x3FB0] =	sst s7  }
0x10: {  	[smem:$0x3FB1] =	sst s8  }
0x11: {  	[smem:$0x3FB2] =	sst s9;
	s0 =	simm.s32 @!p0 $0x0  }
0x12: {  	s1 =	sld [smem:$0x3F98];
	s0 =	simm.s32 @p0 $0x1  }
0x13: {  	[smem:$0x3FB3] =	sst s0;
	s0 =	simm.s32 @!p1 $0x0  }
0x14: {  	s2 =	sld [smem:$0x3F97];
	s0 =	simm.s32 @p1 $0x1  }
0x15: {  	[smem:$0x3FB4] =	sst s0;
	s0 =	simm.s32 @!p2 $0x0  }
0x16: {  	s3 =	sld [smem:$0x3FDB];
	s0 =	simm.s32 @p2 $0x1  }
0x17: {  	s4 =	simm.s32 $0x1BF5;
	[smem:$0x3FB6] =	sst s0  }
0x18: {  	s0 =	sld [smem:$0x3F99];
	_ =	swait.ge [sflag:s4], $0x0  }
0x19: {  	s7 =	sld [smem:$0x3F9A]  }
0x1a: {  	s8 =	sadd.s32 $0xFFFFE003, lr  }
0x1b: {  	s9 =	sadd.s32 $0xFFFFFEF7, lr;
	s5 =	simm.s32 $0xFFFFFFFF;
	p2 =	slt.u32 s8, $0xFFFFF086  }
0x1c: {  	p1 =	slt.u32 s9, $0xF7A;
	s5 =	simm.s32 @!p2 $0x0  }
0x1d: {  	s5 =	simm.s32 @p1 $0x1;
	p0 =	seq.s32 s7, s2  }
0x1e: {  	s7 =	smul.u32 @!p0 $0xF7A, s2;
	p2 =	seq.s32 @!p0 s5, $0x0  }
0x1f: {  	s9 =	smul.u32 $0xF7A, s1;
	s8 =	simm.s32 @!p0 $0x1BF5;
	p2 =	por !p2, p0  }
0x20: {  	[sflag:s8] =	ssyncset.s32 @!p0 $0xFFFFF086;
	s6 =	sadd.s32 @!p0 s3, s7;
	s7 =	simm.s32 @!p0 $0x108  }
0x21: {  	s3 =	sadd.s32 s3, s9;
	s6 =	sadd.s32 @!p0 $0x88, s6;
	s7 =	simm.s32 @p2 $0x1082  }
0x22: {  	[simem:s7], [sflag:s8] =	dma.local @!p0 [hbm:s6], $0xF7A  }
0x23: {  	s9 =	sor.u32 $0xD0000000, s2;
	s6 =	simm.s32 $0x108;
	_ =	swait.ge @!p0 [sflag:s8], $0x0  }
0x24: {  	s3 =	sadd.s32 $0x88, s3;
	s6 =	simm.s32 @!p1 $0x1082;
	[sflag:s4] =	ssyncset.s32 $0xFFFFF086  }
0x25: {  	[simem:s6], [sflag:s4] =	dma.local [hbm:s3], $0xF7A  }
0x26: {  	[smem:$0x3F9A] =	sst s1;
	(tag) =	ssettag s2;
	_ =	strace s9  }
0x27: {  	s1 =	sld [smem:$0x3FAA]  }
0x28: {  	s2 =	sld [smem:$0x3FAB]  }
0x29: {  	s4 =	sld [smem:$0x3FAD]  }
0x2a: {  	p0 =	seq.s32 s5, $0x0;
	s5 =	sld [smem:$0x3FAE]  }
0x2b: {  	s6 =	sld [smem:$0x3FAF]  }
0x2c: {  	s7 =	sld [smem:$0x3FB0]  }
0x2d: {  	s3 =	simm.s32 $0x108;
	s8 =	sld [smem:$0x3FB1]  }
0x2e: {  	s3 =	simm.s32 @!p0 $0x1082;
	s9 =	sld [smem:$0x3FB2]  }
0x2f: {  	lr =	sadd.s32 s0, s3;
	s0 =	sld [smem:$0x3FA9]  }
0x30: {  	s3 =	sld [smem:$0x3FAC]  }
0x31: {  	[smem:$0x3FB5] =	sst s10  }
0x32: {  	s10 =	sld [smem:$0x3FB3];
	_ =	sdelay $0x3  }
0x33: {  	p0 =	seq.s32 s10, $0x1;
	s10 =	sld [smem:$0x3FB5];
	_ =	sdelay $0x3  }
0x34: {  	[smem:$0x3FB5] =	sst s10  }
0x35: {  	s10 =	sld [smem:$0x3FB4];
	_ =	sdelay $0x3  }
0x36: {  	p1 =	seq.s32 s10, $0x1;
	s10 =	sld [smem:$0x3FB5];
	_ =	sdelay $0x3  }
0x37: {  	[smem:$0x3FB5] =	sst s10  }
0x38: {  	s10 =	sld [smem:$0x3FB6]  }
0x39: {  	_ = 	snop;
	(pc) =	sbr.ind lr, $3  }
0x3a: {  	_ = 	snop  }
0x3b: {  	_ = 	snop  }
0x3c: {  	p2 =	seq.s32 s10, $0x1;
	s10 =	sld [smem:$0x3FB5]  }
0x3d: {  	_ =	shalt  }
0x3e: {  	_ =	shalt  }
0x3f: {  	_ =	shalt  }
0x40: {  	_ =	shalt  }
0x41: {  	_ =	shalt  }
0x42: {  	_ =	shalt  }
0x43: {  	_ =	shalt  }
0x44: {  	_ =	shalt  }
0x45: {  	_ =	shalt  }
0x46: {  	_ =	shalt  }
0x47: {  	_ =	shalt  }
0x48: {  	_ =	shalt  }
0x49: {  	_ =	shalt  }
0x4a: {  	_ =	shalt  }
0x4b: {  	_ =	shalt  }
0x4c: {  	_ =	shalt  }
0x4d: {  	_ =	shalt  }
0x4e: {  	_ =	shalt  }
0x4f: {  	_ =	shalt  }
0x50: {  	_ =	shalt  }
0x51: {  	_ =	shalt  }
0x52: {  	_ =	shalt  }
0x53: {  	_ =	shalt  }
0x54: {  	_ =	shalt  }
0x55: {  	_ =	shalt  }
0x56: {  	_ =	shalt  }
0x57: {  	_ =	shalt  }
0x58: {  	_ =	shalt  }
0x59: {  	_ =	shalt  }
0x5a: {  	_ =	shalt  }
0x5b: {  	_ =	shalt  }
0x5c: {  	_ =	shalt  }
0x5d: {  	_ =	shalt  }
0x5e: {  	_ =	shalt  }
0x5f: {  	_ =	shalt  }
0x60: {  	_ =	shalt  }
0x61: {  	_ =	shalt  }
0x62: {  	_ =	shalt  }
0x63: {  	_ =	shalt  }
0x64: {  	_ =	shalt  }
0x65: {  	_ =	shalt  }
0x66: {  	_ =	shalt  }
0x67: {  	_ =	shalt  }
0x68: {  	_ =	shalt  }
0x69: {  	_ =	shalt  }
0x6a: {  	_ =	shalt  }
0x6b: {  	_ =	shalt  }
0x6c: {  	_ =	shalt  }
0x6d: {  	_ =	shalt  }
0x6e: {  	_ =	shalt  }
0x6f: {  	_ =	shalt  }
0x70: {  	_ =	shalt  }
0x71: {  	_ =	shalt  }
0x72: {  	_ =	shalt  }
0x73: {  	_ =	shalt  }
0x74: {  	_ =	shalt  }
0x75: {  	_ =	shalt  }
0x76: {  	_ =	shalt  }
0x77: {  	_ =	shalt  }
0x78: {  	_ =	shalt  }
0x79: {  	_ =	shalt  }
0x7a: {  	_ =	shalt  }
0x7b: {  	_ =	shalt  }
0x7c: {  	_ =	shalt  }
0x7d: {  	_ =	shalt  }
0x7e: {  	_ =	shalt  }
0x7f: {  	_ =	shalt  }
0x80: {  	_ =	shalt  }
0x81: {  	_ =	shalt  }
0x82: {  	_ =	shalt  }
0x83: {  	_ =	shalt  }
0x84: {  	_ =	shalt  }
0x85: {  	_ =	shalt  }
0x86: {  	_ =	shalt  }
0x87: {  	_ =	shalt  }
.Lfunc_end0:
.L_simem_size_0:
called_computation_lowered:
.L_overlay_start_0:
0x88: {  	s2 =	sld [smem:$0x3FD9]  }
0x89: {  	s3 =	sld [smem:$0x3FFE];
	_ =	sdelay $0x1  }
0x8a: {  	s1 =	srdreg.scid  }
0x8b: {  	s0 =	sand.u32 $0x1, s1  }
0x8c: {  	s17 =	sshll.u32 s0, $0xA;
	s2 =	sadd.s32 s3, s2  }
0x8d: {  	s2 =	sadd.s32 s2, s17  }
0x8e: {  	[smem:$0x3FC1] =	sst s2  }
0x8f: {  	_ = 	snop  }
0x90: {  	s2 =	sld [smem:$0x3FD0];
	(tm) =	ssettm $0x1  }
0x91: {  	s18 =	sld [smem:$0x3FFB];
	_ =	sdelay $0x3  }
0x92: {  	_ =	strace s18  }
0x93: {  	s3 =	sld [smem:$0x3FFC];
	_ =	sdelay $0x3  }
0x94: {  	_ =	strace s3  }
0x95: {  	s3 =	sld [smem:$0x3FFD];
	_ =	sdelay $0x3  }
0x96: {  	_ =	strace s3  }
0x97: {  	_ =	strace $0x8FFFFFFF  }
0x98: {  	s19 =	sld [smem:$0x3FDB];
	_ =	sdelay $0x1  }
0x99: {  	s4 =	simm.s32 $_scs_section_size  }
0x9a: {  	s5 =	simm.s32 $_size__tile_overlayer_lowered;
	s6 =	simm.s32 $_tile_overlayer_lowered  }
0x9b: {  	s22 =	simm.s32 $0x1BFF;
	s21 =	sshll.u32 s6, $0x1;
	s3 =	sadd.s32 s4, s19  }
0x9c: {  	s7 =	simm.s32 $0x0;
	s20 =	sshll.u32 s5, $0x1;
	s5 =	sadd.s32 s21, s3  }
0x9d: {  	[timem:s7], [sflag:s22] =	dma.local [hbm:s5], s20  }
0x9e: {  	_ =	swait.ge [sflag:s22], s20  }
0x9f: {  	s4 =	ssub.s32 $0x0, s20;
	[sflag:s22] =	ssyncset.done $0x0  }
0xa0: {  	[sflag:s22] =	ssyncadd.s32 s4;
	_ =	sdelay $0x1  }
0xa1: {  	s23 =	simm.s32 $0x1B8B  }
0xa2: {  	_ =	swait.ge [sflag:s23], $0x1  }
0xa3: {  	[sflag:s23] =	ssyncset.done $0x0  }
0xa4: {  	s25 =	simm.s32 $0x1B8E;
	s24 =	sld [smem:$0x3FFE];
	[sflag:s23] =	ssyncadd.s32 $0xFFFFFFFF  }
0xa5: {  	s26 =	simm.s32 $execute0_lowered;
	[smem:$0x3FD2] =	sst s25  }
0xa6: {  	s5 =	sshll.u32 s26, $0x1;
	_ =	strace $0x80000046;
	[dreg:$0x1] =	wrdreg $0xFFFFFFFF  }
0xa7: {  	s28 =	simm.s32 $_size_execute0_lowered;
	s3 =	sadd.s32 s3, s5;
	[dreg:$0x0] =	wrdreg $0x0  }
0xa8: {  	s5 =	sshll.u32 s28, $0x1;
	[dreg:$0x2] =	wrdreg s3  }
0xa9: {  	[dreg:$0x3] =	wrdreg s5  }
0xaa: {  	[dreg:$0x4] =	wrdreg $0xC0  }
0xab: {  	_ =	task [dreg:s7], $0x5FFFF  }
0xac: {  	[dreg:$0x1] =	wrdreg $0xFFFFFFFF  }
0xad: {  	[dreg:$0x0] =	wrdreg $0x60  }
0xae: {  	[dreg:$0x2] =	wrdreg s24  }
0xaf: {  	[dreg:$0x3] =	wrdreg s2  }
0xb0: {  	[dreg:$0x4] =	wrdreg $0x9  }
0xb1: {  	_ =	task.clear_ibuf [dreg:s7], $0x5FFFF;
	_ =	strace $0x90000046  }
0xb2: {  	s29 =	simm.s32 $0x9;
	_ =	strace $0x80000048  }
0xb3: {  	_ =	swait.ge [sflag:s29], $0x1  }
0xb4: {  	[sflag:s29] =	ssyncadd.s32 $0xFFFFFFFF  }
0xb5: {  	_ =	strace $0x90000048  }
0xb6: {  	_ =	sfence  }
0xb7: {  	s30 =	sld [smem:$0x0];
	_ =	sdelay $0x2  }
0xb8: {  	s31 =	sshll.u32 s1, $0xD;
	s1 =	sshrl.u32 s1, $0x2  }
0xb9: {  	s3 =	sand.u32 $0x4000, s31;
	s1 =	sadd.s32 s1, s30  }
0xba: {  	s0 =	sor.u32 s3, s0;
	s1 =	sshll.u32 s1, $0x11  }
0xbb: {  	s0 =	sor.u32 s1, s0  }
0xbc: {  	s0 =	sadd.s32 $0x8F2B, s0  }
0xbd: {  	[sflag:s0] =	ssyncadd.remote.s32 $0x1  }
0xbe: {  	_ =	sfence.sel $0xFFFF  }
0xbf: {  	[dreg:$0x0] =	wrdreg $0xFFFFFFFF;
	(pc) =	sbr.abs _section_cstart, $3  }
0xc0: {  	[dreg:$0x1] =	wrdreg $0xFFFFFFFF  }
0xc1: {  	_ =	task.clear_ibuf [dreg:s7], $0x2FFFF;
	_ =	strace $0x9FFFFFFF  }
0xc2: {  	(tm) =	ssettm $0x7FFFFFFF  }
0xc3: {  	_ =	shalt  }
tec
execute0_lowered:
.L_overlay_start_1:
0x0: {  	(tag) =	ssettag $0x1  }
0x1: {  	s3 =	rddreg [dreg:$0x0]  }
0x2: {  	s7 =	rddreg [dreg:$0x1]  }
0x3: {  	s0 =	rddreg [dreg:$0x2]  }
0x4: {  	s2 =	simm.s32 $0x0;
	s4 =	srdreg.scid;
	s1 =	stileid.u32  }
0x5: {  	v0 =	vlaneseq.u32;
	s10 =	simm.s32 $0x2000;
	s11 =	simm.s32 $0x2800;
	s12 =	simm.s32 $0x3000  }
0x6: {  	[smem:$0x7FF] =	sst s2;
	s4 =	sand.u32 $0x1, s4;
	s5 =	sshll.u32 s1, $0xC;
	v1 =	vmul.u32 $0x10, v0  }
0x7: {  	s29 =	sshll.u32 s1, $0x7;
	_ =	strace $0x80000047;
	s6 =	sshll.u32 s4, $0xB  }
0x8: {  	v2 =	vimm.s32 $0x0;
	s5 =	sand.u32 $0x1000, s5;
	s4 =	ssub.s32 $0x2, s4;
	s13 =	sand.u32 $0x700, s29;
	v3 =	vor.u32 $0x1, v1;
	v4 =	vor.u32 $0x2, v1  }
0x9: {  	s5 =	sor.u32 s6, s5;
	s8 =	sshrl.u32 s4, $0x1;
	v5 =	vor.u32 $0x3, v1;
	v6 =	vor.u32 $0x4, v1;
	v7 =	vor.u32 $0x5, v1;
	s14 =	sor.u32 $0x800, s13  }
0xa: {  	v8 =	vor.u32 $0x6, v1;
	v9 =	vor.u32 $0x7, v1;
	s9 =	sshrl.u32 s5, $0x3;
	s30 =	ssub.s32 s4, s8;
	s31 =	sor.u32 s13, s5;
	v19 =	vmov s14  }
0xb: {  	v10 =	vor.u32 $0x8, v1;
	v11 =	vor.u32 $0x9, v1;
	v18 =	vmov s13;
	s13 =	simm.s32 $0x0;
	s3 =	sadd.s32 s3, s9;
	s8 =	sshll.u32 s31, $0x1  }
0xc: {  	v12 =	vor.u32 $0xA, v1;
	v13 =	vor.u32 $0xB, v1;
	v14 =	vor.u32 $0xC, v1;
	s6 =	smax.u32 s30, $0x1;
	s9 =	simm.s32 $0x1800;
	s4 =	sadd.s32 $0x800, s3  }
0xd: {  	v15 =	vor.u32 $0xD, v1;
	v16 =	vor.u32 $0xE, v1;
	v17 =	vor.u32 $0xF, v1;
	s5 =	sadd.s32 $0x400, s3;
	s7 =	sadd.s32 s8, s7;
	s8 =	simm.s32 $0x1  }
.LBB2_1:
0xe: {  	[tilespmem:s2], [sflag:$0x1] =	stream.linear.gather [hbm4b:s4+s2], $0x800, $0x38;
	[tilespmem:$0x3100] =	vst v63  }
0xf: {  	_ =	swait.ge [sflag:s8], $0x800  }
0x10: {  	[sflag:s8] =	ssyncset.done $0x0  }
0x11: {  	s14 =	simm.s32 $0x800;
	[sflag:s8] =	ssyncadd.s32 $0xFFFFF800  }
0x12: {  	[tilespmem:s14], [sflag:$0x1] =	stream.linear.gather [hbm4b:s3+s2], $0x800, $0x38;
	[tilespmem:$0x3100] =	vst v63  }
0x13: {  	_ =	swait.ge [sflag:s8], $0x800  }
0x14: {  	[sflag:s8] =	ssyncset.done $0x0  }
0x15: {  	s15 =	simm.s32 $0x1000;
	[sflag:s8] =	ssyncadd.s32 $0xFFFFF800  }
0x16: {  	[tilespmem:s15], [sflag:$0x1] =	stream.linear.gather [hbm4b:s5+s2], $0x800, $0x38;
	[tilespmem:$0x3100] =	vst v63  }
0x17: {  	_ =	swait.ge [sflag:s8], $0x800  }
0x18: {  	[sflag:s8] =	ssyncset.done $0x0  }
0x19: {  	s16 =	simm.s32 $0x0;
	s17 =	simm.s32 $0x0;
	[sflag:s8] =	ssyncadd.s32 $0xFFFFF800  }
.LBB2_2:
0x1a: {  	v20 =	vld [tilespmem:s14+$0x0];
	_ =	sdelay $0x2  }
0x1b: {  	v21 =	vld [tilespmem:s16+$0x0];
	_ =	sdelay $0x4  }
0x1c: {  	v22 =	vor.u32 s17, v0;
	[tilespmem:v20+s9+$0x0] =	vst.idx.msk $0xffff, v21  }
0x1d: {  	[tilespmem:v20+s10+$0x0] =	vst.idx.msk $0xffff, v22  }
0x1e: {  	p0 =	sne.s32 s17, $0x7F0;
	v21 =	vld [tilespmem:s15+$0x0]  }
.Ltmp0:
0x1f: {  	_ = 	snop;
	(pc) =	sbr.rel @p0 .LBB2_2-.Ltmp0, $3  }
0x20: {  	_ =	sdelay $0x1  }
0x21: {  	s14 =	sadd.s32 $0x10, s14  }
0x22: {  	s16 =	sadd.s32 $0x10, s16;
	s17 =	sadd.s32 $0x10, s17;
	s15 =	sadd.s32 $0x10, s15;
	[tilespmem:v20+s11+$0x0] =	vst.idx.msk $0xffff, v21  }
0x23: {  	s14 =	simm.s32 $0x0;
	s15 =	smov.u32 s7  }
.LBB2_4:
0x24: {  	s16 =	sshra.s32 s14, $0x2  }
0x25: {  	v20 =	vld.idx.msk [tilespmem:v19+s16+$0x0 ss:$0x1], $0xffff;
	_ =	sdelay $0x4  }
0x26: {  	vm0 =	vgt.s32 v20, $0x0  }
0x27: {  	v22 =	vnsel vm0, $0x0, v20;
	_ =	sdelay $0x4  }
0x28: {  	v23 =	vadd.s32 $0x1, v20;
	v21 =	vld.idx.msk [tilespmem:v22+s11+$0x0], $0xffff  }
0x29: {  	vm4 =	vlt.s32 v23, $0x7FF  }
0x2a: {  	v24 =	vnsel vm4, $0x7FF, v23;
	_ =	sdelay $0x2  }
0x2b: {  	v25 =	vand.u32 $0xFFF, v21  }
0x2c: {  	v21 =	vshra.s32 v21, $0xC;
	vm5 =	vlt.s32 v25, v20  }
0x2d: {  	v53 =	vld.idx.msk [tilespmem:v24+s9+$0x0], $0xffff;
	v26 =	vsub.s32 v21, v22;
	v25 =	vsel vm5, v25, v20  }
0x2e: {  	v21 =	vld.idx.msk [tilespmem:v18+s16+$0x0 ss:$0x1], $0xffff;
	v25 =	vadd.s32 v25, v26  }
0x2f: {  	v22 =	vld.idx.msk [tilespmem:v22+s9+$0x0], $0xffff;
	_ =	sdelay $0x2  }
0x30: {  	v24 =	vld.idx.msk [tilespmem:v24+s10+$0x0], $0xffff  }
0x31: {  	v25 =	vld.idx.msk [tilespmem:v25+s10+$0x0], $0xffff  }
0x32: {  	v22 =	vsub.f32 v21, v22;
	v26 =	vsub.f32 v21, v53  }
0x33: {  	vm6 =	vgt.s32 v20, $0xFFFFFFFF  }
0x34: {  	vm1 =	vlt.s32 v23, $0x800;
	v22 =	vand.u32 $0x7FFFFFFF, v22;
	v26 =	vand.u32 $0x7FFFFFFF, v26  }
0x35: {  	v22 =	vnsel vm6, $0x7F800000, v22;
	v26 =	vnsel vm1, $0x7F800000, v26  }
0x36: {  	vm0 =	veq.f32 v22, v26;
	vm7 =	vlt.s32 v25, v24  }
0x37: {  	vm2 =	vlt.f32 v22, v26;
	vm0 =	vmand vm0, vm7  }
0x38: {  	vm0 =	vmor vm2, vm0  }
0x39: {  	v54 =	vsel vm0, $0xFFFFFFFF, v2  }
0x3a: {  	v22 =	vadd.s32 v54, v20  }
0x3b: {  	vm8 =	vgt.s32 v22, $0x0  }
0x3c: {  	v55 =	vnsel vm8, $0x0, v22;
	_ =	sdelay $0x2  }
0x3d: {  	v24 =	vsel vm0, v25, v24  }
0x3e: {  	[tilespmem:v1+s12+$0x0] =	vst.idx.msk $0xffff, v24  }
0x3f: {  	v56 =	vadd.s32 $0x2, v20;
	v24 =	vld.idx.msk [tilespmem:v55+s11+$0x0], $0xffff  }
0x40: {  	v23 =	vsel vm0, v23, v56  }
0x41: {  	vm0 =	vlt.s32 v23, $0x7FF  }
0x42: {  	v25 =	vnsel vm0, $0x7FF, v23;
	_ =	sdelay $0x1  }
0x43: {  	v27 =	vand.u32 $0xFFF, v24  }
0x44: {  	v24 =	vshra.s32 v24, $0xC;
	vm9 =	vlt.s32 v27, v20  }
0x45: {  	v24 =	vsub.s32 v24, v55;
	v27 =	vsel vm9, v27, v20  }
0x46: {  	v57 =	vld.idx.msk [tilespmem:v25+s9+$0x0], $0xffff;
	v24 =	vadd.s32 v27, v24  }
0x47: {  	v26 =	vld.idx.msk [tilespmem:v55+s9+$0x0], $0xffff;
	_ =	sdelay $0x2  }
0x48: {  	v25 =	vld.idx.msk [tilespmem:v25+s10+$0x0], $0xffff  }
0x49: {  	v24 =	vld.idx.msk [tilespmem:v24+s10+$0x0], $0xffff  }
0x4a: {  	v26 =	vsub.f32 v21, v26;
	v27 =	vsub.f32 v21, v57  }
0x4b: {  	vm11 =	vlt.s32 v23, $0x800  }
0x4c: {  	vm10 =	vgt.s32 v22, $0xFFFFFFFF;
	v26 =	vand.u32 $0x7FFFFFFF, v26;
	v27 =	vand.u32 $0x7FFFFFFF, v27  }
0x4d: {  	v26 =	vnsel vm10, $0x7F800000, v26;
	v27 =	vnsel vm11, $0x7F800000, v27  }
0x4e: {  	vm0 =	veq.f32 v26, v27;
	vm12 =	vlt.s32 v24, v25  }
0x4f: {  	vm13 =	vlt.f32 v26, v27;
	vm0 =	vmand vm12, vm0  }
0x50: {  	vm0 =	vmor vm13, vm0  }
0x51: {  	v58 =	vsel vm0, $0xFFFFFFFF, v2  }
0x52: {  	v22 =	vadd.s32 v58, v22  }
0x53: {  	vm14 =	vgt.s32 v22, $0x0  }
0x54: {  	v26 =	vnsel vm14, $0x0, v22;
	_ =	sdelay $0x2  }
0x55: {  	v24 =	vsel vm0, v24, v25  }
0x56: {  	[tilespmem:v3+s12+$0x0] =	vst.idx.msk $0xffff, v24  }
0x57: {  	v24 =	vld.idx.msk [tilespmem:v26+s11+$0x0], $0xffff  }
0x58: {  	vm0 =	vmneg vm0  }
0x59: {  	v59 =	vsel vm0, $0x1, v2  }
0x5a: {  	v23 =	vadd.s32 v59, v23  }
0x5b: {  	vm15 =	vlt.s32 v23, $0x7FF  }
0x5c: {  	v61 =	vnsel vm15, $0x7FF, v23;
	v60 =	vand.u32 $0xFFF, v24  }
0x5d: {  	vm4 =	vlt.s32 v60, v20  }
0x5e: {  	v24 =	vshra.s32 v24, $0xC;
	v25 =	vsel vm4, v60, v20  }
0x5f: {  	v24 =	vadd.s32 v24, v25  }
0x60: {  	v62 =	vld.idx.msk [tilespmem:v26+s9+$0x0], $0xffff;
	v24 =	vsub.s32 v24, v26  }
0x61: {  	v63 =	vld.idx.msk [tilespmem:v61+s9+$0x0], $0xffff;
	_ =	sdelay $0x2  }
0x62: {  	v27 =	vld.idx.msk [tilespmem:v61+s10+$0x0], $0xffff  }
0x63: {  	v24 =	vld.idx.msk [tilespmem:v24+s10+$0x0], $0xffff  }
0x64: {  	v25 =	vsub.f32 v21, v62;
	v26 =	vsub.f32 v21, v63  }
0x65: {  	vm5 =	vgt.s32 v22, $0xFFFFFFFF  }
0x66: {  	vm6 =	vlt.s32 v23, $0x800;
	v25 =	vand.u32 $0x7FFFFFFF, v25;
	v26 =	vand.u32 $0x7FFFFFFF, v26  }
0x67: {  	v25 =	vnsel vm5, $0x7F800000, v25;
	v26 =	vnsel vm6, $0x7F800000, v26  }
0x68: {  	vm0 =	veq.f32 v25, v26;
	vm7 =	vlt.s32 v24, v27  }
0x69: {  	vm8 =	vlt.f32 v25, v26;
	vm0 =	vmand vm7, vm0  }
0x6a: {  	vm0 =	vmor vm8, vm0  }
0x6b: {  	v30 =	vsel vm0, $0xFFFFFFFF, v2  }
0x6c: {  	v22 =	vadd.s32 v30, v22  }
0x6d: {  	vm9 =	vgt.s32 v22, $0x0  }
0x6e: {  	v25 =	vnsel vm9, $0x0, v22;
	_ =	sdelay $0x2  }
0x6f: {  	v24 =	vsel vm0, v24, v27  }
0x70: {  	[tilespmem:v4+s12+$0x0] =	vst.idx.msk $0xffff, v24  }
0x71: {  	vm0 =	vmneg vm0;
	v24 =	vld.idx.msk [tilespmem:v25+s11+$0x0], $0xffff  }
0x72: {  	v31 =	vsel vm0, $0x1, v2  }
0x73: {  	v23 =	vadd.s32 v31, v23  }
0x74: {  	vm10 =	vlt.s32 v23, $0x7FF  }
0x75: {  	v33 =	vnsel vm10, $0x7FF, v23  }
0x76: {  	v32 =	vand.u32 $0xFFF, v24  }
0x77: {  	vm11 =	vlt.s32 v32, v20  }
0x78: {  	v24 =	vshra.s32 v24, $0xC;
	v26 =	vsel vm11, v32, v20  }
0x79: {  	v24 =	vadd.s32 v24, v26  }
0x7a: {  	v34 =	vld.idx.msk [tilespmem:v33+s9+$0x0], $0xffff;
	v24 =	vsub.s32 v24, v25  }
0x7b: {  	v25 =	vld.idx.msk [tilespmem:v25+s9+$0x0], $0xffff;
	_ =	sdelay $0x2  }
0x7c: {  	v27 =	vld.idx.msk [tilespmem:v33+s10+$0x0], $0xffff  }
0x7d: {  	v24 =	vld.idx.msk [tilespmem:v24+s10+$0x0], $0xffff  }
0x7e: {  	v26 =	vsub.f32 v21, v34;
	v25 =	vsub.f32 v21, v25  }
0x7f: {  	vm12 =	vgt.s32 v22, $0xFFFFFFFF  }
0x80: {  	vm13 =	vlt.s32 v23, $0x800;
	v26 =	vand.u32 $0x7FFFFFFF, v26;
	v25 =	vand.u32 $0x7FFFFFFF, v25  }
0x81: {  	v26 =	vnsel vm13, $0x7F800000, v26;
	v25 =	vnsel vm12, $0x7F800000, v25  }
0x82: {  	vm0 =	veq.f32 v25, v26;
	vm14 =	vlt.s32 v24, v27  }
0x83: {  	vm15 =	vlt.f32 v25, v26;
	vm0 =	vmand vm14, vm0  }
0x84: {  	vm0 =	vmor vm15, vm0  }
0x85: {  	v35 =	vsel vm0, $0xFFFFFFFF, v2  }
0x86: {  	v22 =	vadd.s32 v35, v22  }
0x87: {  	vm4 =	vgt.s32 v22, $0x0  }
0x88: {  	v25 =	vnsel vm4, $0x0, v22;
	_ =	sdelay $0x2  }
0x89: {  	v24 =	vsel vm0, v24, v27  }
0x8a: {  	[tilespmem:v5+s12+$0x0] =	vst.idx.msk $0xffff, v24  }
0x8b: {  	vm0 =	vmneg vm0;
	v24 =	vld.idx.msk [tilespmem:v25+s11+$0x0], $0xffff  }
0x8c: {  	v36 =	vsel vm0, $0x1, v2  }
0x8d: {  	v23 =	vadd.s32 v36, v23  }
0x8e: {  	vm5 =	vlt.s32 v23, $0x7FF  }
0x8f: {  	v38 =	vnsel vm5, $0x7FF, v23  }
0x90: {  	v37 =	vand.u32 $0xFFF, v24  }
0x91: {  	vm6 =	vlt.s32 v37, v20  }
0x92: {  	v24 =	vshra.s32 v24, $0xC;
	v26 =	vsel vm6, v37, v20  }
0x93: {  	v24 =	vadd.s32 v24, v26  }
0x94: {  	v39 =	vld.idx.msk [tilespmem:v38+s9+$0x0], $0xffff;
	v24 =	vsub.s32 v24, v25  }
0x95: {  	v25 =	vld.idx.msk [tilespmem:v25+s9+$0x0], $0xffff;
	_ =	sdelay $0x2  }
0x96: {  	v27 =	vld.idx.msk [tilespmem:v38+s10+$0x0], $0xffff  }
0x97: {  	v24 =	vld.idx.msk [tilespmem:v24+s10+$0x0], $0xffff  }
0x98: {  	v26 =	vsub.f32 v21, v39;
	v25 =	vsub.f32 v21, v25  }
0x99: {  	vm7 =	vgt.s32 v22, $0xFFFFFFFF  }
0x9a: {  	vm8 =	vlt.s32 v23, $0x800;
	v26 =	vand.u32 $0x7FFFFFFF, v26;
	v25 =	vand.u32 $0x7FFFFFFF, v25  }
0x9b: {  	v26 =	vnsel vm8, $0x7F800000, v26;
	v25 =	vnsel vm7, $0x7F800000, v25  }
0x9c: {  	vm0 =	veq.f32 v25, v26;
	vm9 =	vlt.s32 v24, v27  }
0x9d: {  	vm10 =	vlt.f32 v25, v26;
	vm0 =	vmand vm9, vm0  }
0x9e: {  	vm0 =	vmor vm10, vm0  }
0x9f: {  	v40 =	vsel vm0, $0xFFFFFFFF, v2  }
0xa0: {  	v22 =	vadd.s32 v40, v22  }
0xa1: {  	vm11 =	vgt.s32 v22, $0x0  }
0xa2: {  	v25 =	vnsel vm11, $0x0, v22;
	_ =	sdelay $0x2  }
0xa3: {  	v24 =	vsel vm0, v24, v27  }
0xa4: {  	[tilespmem:v6+s12+$0x0] =	vst.idx.msk $0xffff, v24  }
0xa5: {  	vm0 =	vmneg vm0;
	v24 =	vld.idx.msk [tilespmem:v25+s11+$0x0], $0xffff  }
0xa6: {  	v41 =	vsel vm0, $0x1, v2  }
0xa7: {  	v23 =	vadd.s32 v41, v23  }
0xa8: {  	vm12 =	vlt.s32 v23, $0x7FF  }
0xa9: {  	v43 =	vnsel vm12, $0x7FF, v23  }
0xaa: {  	v42 =	vand.u32 $0xFFF, v24  }
0xab: {  	vm13 =	vlt.s32 v42, v20  }
0xac: {  	v24 =	vshra.s32 v24, $0xC;
	v26 =	vsel vm13, v42, v20  }
0xad: {  	v24 =	vadd.s32 v24, v26  }
0xae: {  	v44 =	vld.idx.msk [tilespmem:v43+s9+$0x0], $0xffff;
	v24 =	vsub.s32 v24, v25  }
0xaf: {  	v25 =	vld.idx.msk [tilespmem:v25+s9+$0x0], $0xffff;
	_ =	sdelay $0x2  }
0xb0: {  	v27 =	vld.idx.msk [tilespmem:v43+s10+$0x0], $0xffff  }
0xb1: {  	v24 =	vld.idx.msk [tilespmem:v24+s10+$0x0], $0xffff  }
0xb2: {  	v26 =	vsub.f32 v21, v44;
	v25 =	vsub.f32 v21, v25  }
0xb3: {  	vm14 =	vgt.s32 v22, $0xFFFFFFFF  }
0xb4: {  	vm15 =	vlt.s32 v23, $0x800;
	v26 =	vand.u32 $0x7FFFFFFF, v26;
	v25 =	vand.u32 $0x7FFFFFFF, v25  }
0xb5: {  	v26 =	vnsel vm15, $0x7F800000, v26;
	v25 =	vnsel vm14, $0x7F800000, v25  }
0xb6: {  	vm0 =	veq.f32 v25, v26;
	vm4 =	vlt.s32 v24, v27  }
0xb7: {  	vm5 =	vlt.f32 v25, v26;
	vm0 =	vmand vm4, vm0  }
0xb8: {  	vm0 =	vmor vm5, vm0  }
0xb9: {  	v45 =	vsel vm0, $0xFFFFFFFF, v2  }
0xba: {  	v22 =	vadd.s32 v45, v22  }
0xbb: {  	vm6 =	vgt.s32 v22, $0x0  }
0xbc: {  	v25 =	vnsel vm6, $0x0, v22;
	_ =	sdelay $0x2  }
0xbd: {  	v24 =	vsel vm0, v24, v27  }
0xbe: {  	[tilespmem:v7+s12+$0x0] =	vst.idx.msk $0xffff, v24  }
0xbf: {  	vm0 =	vmneg vm0;
	v24 =	vld.idx.msk [tilespmem:v25+s11+$0x0], $0xffff  }
0xc0: {  	v46 =	vsel vm0, $0x1, v2  }
0xc1: {  	v23 =	vadd.s32 v46, v23  }
0xc2: {  	vm7 =	vlt.s32 v23, $0x7FF  }
0xc3: {  	v48 =	vnsel vm7, $0x7FF, v23  }
0xc4: {  	v47 =	vand.u32 $0xFFF, v24  }
0xc5: {  	vm8 =	vlt.s32 v47, v20  }
0xc6: {  	v24 =	vshra.s32 v24, $0xC;
	v26 =	vsel vm8, v47, v20  }
0xc7: {  	v24 =	vadd.s32 v24, v26  }
0xc8: {  	v49 =	vld.idx.msk [tilespmem:v48+s9+$0x0], $0xffff;
	v24 =	vsub.s32 v24, v25  }
0xc9: {  	v25 =	vld.idx.msk [tilespmem:v25+s9+$0x0], $0xffff;
	_ =	sdelay $0x2  }
0xca: {  	v27 =	vld.idx.msk [tilespmem:v48+s10+$0x0], $0xffff  }
0xcb: {  	v24 =	vld.idx.msk [tilespmem:v24+s10+$0x0], $0xffff  }
0xcc: {  	v26 =	vsub.f32 v21, v49;
	v25 =	vsub.f32 v21, v25  }
0xcd: {  	vm9 =	vgt.s32 v22, $0xFFFFFFFF  }
0xce: {  	vm10 =	vlt.s32 v23, $0x800;
	v26 =	vand.u32 $0x7FFFFFFF, v26;
	v25 =	vand.u32 $0x7FFFFFFF, v25  }
0xcf: {  	v26 =	vnsel vm10, $0x7F800000, v26;
	v25 =	vnsel vm9, $0x7F800000, v25  }
0xd0: {  	vm0 =	veq.f32 v25, v26;
	vm11 =	vlt.s32 v24, v27  }
0xd1: {  	vm12 =	vlt.f32 v25, v26;
	vm0 =	vmand vm11, vm0  }
0xd2: {  	vm0 =	vmor vm12, vm0  }
0xd3: {  	v50 =	vsel vm0, $0xFFFFFFFF, v2  }
0xd4: {  	v22 =	vadd.s32 v50, v22  }
0xd5: {  	vm13 =	vgt.s32 v22, $0x0  }
0xd6: {  	v25 =	vnsel vm13, $0x0, v22;
	_ =	sdelay $0x2  }
0xd7: {  	v24 =	vsel vm0, v24, v27  }
0xd8: {  	[tilespmem:v8+s12+$0x0] =	vst.idx.msk $0xffff, v24  }
0xd9: {  	vm0 =	vmneg vm0;
	v24 =	vld.idx.msk [tilespmem:v25+s11+$0x0], $0xffff  }
0xda: {  	v51 =	vsel vm0, $0x1, v2  }
0xdb: {  	v23 =	vadd.s32 v51, v23  }
0xdc: {  	vm14 =	vlt.s32 v23, $0x7FF  }
0xdd: {  	v53 =	vnsel vm14, $0x7FF, v23  }
0xde: {  	v52 =	vand.u32 $0xFFF, v24  }
0xdf: {  	vm15 =	vlt.s32 v52, v20  }
0xe0: {  	v24 =	vshra.s32 v24, $0xC;
	v26 =	vsel vm15, v52, v20  }
0xe1: {  	v24 =	vadd.s32 v24, v26  }
0xe2: {  	v54 =	vld.idx.msk [tilespmem:v53+s9+$0x0], $0xffff;
	v24 =	vsub.s32 v24, v25  }
0xe3: {  	v25 =	vld.idx.msk [tilespmem:v25+s9+$0x0], $0xffff;
	_ =	sdelay $0x2  }
0xe4: {  	v27 =	vld.idx.msk [tilespmem:v53+s10+$0x0], $0xffff  }
0xe5: {  	v24 =	vld.idx.msk [tilespmem:v24+s10+$0x0], $0xffff  }
0xe6: {  	v26 =	vsub.f32 v21, v54;
	v25 =	vsub.f32 v21, v25  }
0xe7: {  	vm4 =	vgt.s32 v22, $0xFFFFFFFF  }
0xe8: {  	vm5 =	vlt.s32 v23, $0x800;
	v26 =	vand.u32 $0x7FFFFFFF, v26;
	v25 =	vand.u32 $0x7FFFFFFF, v25  }
0xe9: {  	v26 =	vnsel vm5, $0x7F800000, v26;
	v25 =	vnsel vm4, $0x7F800000, v25  }
0xea: {  	vm0 =	veq.f32 v25, v26;
	vm6 =	vlt.s32 v24, v27  }
0xeb: {  	vm7 =	vlt.f32 v25, v26;
	vm0 =	vmand vm6, vm0  }
0xec: {  	vm0 =	vmor vm7, vm0  }
0xed: {  	v55 =	vsel vm0, $0xFFFFFFFF, v2  }
0xee: {  	v22 =	vadd.s32 v55, v22  }
0xef: {  	vm8 =	vgt.s32 v22, $0x0  }
0xf0: {  	v25 =	vnsel vm8, $0x0, v22;
	_ =	sdelay $0x2  }
0xf1: {  	v24 =	vsel vm0, v24, v27  }
0xf2: {  	[tilespmem:v9+s12+$0x0] =	vst.idx.msk $0xffff, v24  }
0xf3: {  	vm0 =	vmneg vm0;
	v24 =	vld.idx.msk [tilespmem:v25+s11+$0x0], $0xffff  }
0xf4: {  	v56 =	vsel vm0, $0x1, v2  }
0xf5: {  	v23 =	vadd.s32 v56, v23  }
0xf6: {  	vm9 =	vlt.s32 v23, $0x7FF  }
0xf7: {  	v58 =	vnsel vm9, $0x7FF, v23  }
0xf8: {  	v57 =	vand.u32 $0xFFF, v24  }
0xf9: {  	vm10 =	vlt.s32 v57, v20  }
0xfa: {  	v24 =	vshra.s32 v24, $0xC;
	v26 =	vsel vm10, v57, v20  }
0xfb: {  	v24 =	vadd.s32 v24, v26  }
0xfc: {  	v59 =	vld.idx.msk [tilespmem:v58+s9+$0x0], $0xffff;
	v24 =	vsub.s32 v24, v25  }
0xfd: {  	v25 =	vld.idx.msk [tilespmem:v25+s9+$0x0], $0xffff;
	_ =	sdelay $0x2  }
0xfe: {  	v27 =	vld.idx.msk [tilespmem:v58+s10+$0x0], $0xffff  }
0xff: {  	v24 =	vld.idx.msk [tilespmem:v24+s10+$0x0], $0xffff  }
0x100: {  	v26 =	vsub.f32 v21, v59;
	v25 =	vsub.f32 v21, v25  }
0x101: {  	vm11 =	vgt.s32 v22, $0xFFFFFFFF  }
0x102: {  	vm12 =	vlt.s32 v23, $0x800;
	v26 =	vand.u32 $0x7FFFFFFF, v26;
	v25 =	vand.u32 $0x7FFFFFFF, v25  }
0x103: {  	v26 =	vnsel vm12, $0x7F800000, v26;
	v25 =	vnsel vm11, $0x7F800000, v25  }
0x104: {  	vm0 =	veq.f32 v25, v26;
	vm13 =	vlt.s32 v24, v27  }
0x105: {  	vm14 =	vlt.f32 v25, v26;
	vm0 =	vmand vm13, vm0  }
0x106: {  	vm0 =	vmor vm14, vm0  }
0x107: {  	v60 =	vsel vm0, $0xFFFFFFFF, v2  }
0x108: {  	v22 =	vadd.s32 v60, v22  }
0x109: {  	vm15 =	vgt.s32 v22, $0x0  }
0x10a: {  	v25 =	vnsel vm15, $0x0, v22;
	_ =	sdelay $0x2  }
0x10b: {  	v24 =	vsel vm0, v24, v27  }
0x10c: {  	[tilespmem:v10+s12+$0x0] =	vst.idx.msk $0xffff, v24  }
0x10d: {  	vm0 =	vmneg vm0;
	v24 =	vld.idx.msk [tilespmem:v25+s11+$0x0], $0xffff  }
0x10e: {  	v61 =	vsel vm0, $0x1, v2  }
0x10f: {  	v23 =	vadd.s32 v61, v23  }
0x110: {  	vm4 =	vlt.s32 v23, $0x7FF  }
0x111: {  	v63 =	vnsel vm4, $0x7FF, v23  }
0x112: {  	v62 =	vand.u32 $0xFFF, v24  }
0x113: {  	vm5 =	vlt.s32 v62, v20  }
0x114: {  	v24 =	vshra.s32 v24, $0xC;
	v26 =	vsel vm5, v62, v20  }
0x115: {  	v24 =	vadd.s32 v24, v26  }
0x116: {  	v30 =	vld.idx.msk [tilespmem:v63+s9+$0x0], $0xffff;
	v24 =	vsub.s32 v24, v25  }
0x117: {  	v25 =	vld.idx.msk [tilespmem:v25+s9+$0x0], $0xffff;
	_ =	sdelay $0x2  }
0x118: {  	v27 =	vld.idx.msk [tilespmem:v63+s10+$0x0], $0xffff  }
0x119: {  	v24 =	vld.idx.msk [tilespmem:v24+s10+$0x0], $0xffff  }
0x11a: {  	v26 =	vsub.f32 v21, v30;
	v25 =	vsub.f32 v21, v25  }
0x11b: {  	vm6 =	vgt.s32 v22, $0xFFFFFFFF  }
0x11c: {  	vm7 =	vlt.s32 v23, $0x800;
	v26 =	vand.u32 $0x7FFFFFFF, v26;
	v25 =	vand.u32 $0x7FFFFFFF, v25  }
0x11d: {  	v26 =	vnsel vm7, $0x7F800000, v26;
	v25 =	vnsel vm6, $0x7F800000, v25  }
0x11e: {  	vm0 =	veq.f32 v25, v26;
	vm8 =	vlt.s32 v24, v27  }
0x11f: {  	vm9 =	vlt.f32 v25, v26;
	vm0 =	vmand vm8, vm0  }
0x120: {  	vm0 =	vmor vm9, vm0  }
0x121: {  	v31 =	vsel vm0, $0xFFFFFFFF, v2  }
0x122: {  	v22 =	vadd.s32 v31, v22  }
0x123: {  	vm10 =	vgt.s32 v22, $0x0  }
0x124: {  	v25 =	vnsel vm10, $0x0, v22;
	_ =	sdelay $0x2  }
0x125: {  	v24 =	vsel vm0, v24, v27  }
0x126: {  	[tilespmem:v11+s12+$0x0] =	vst.idx.msk $0xffff, v24  }
0x127: {  	vm0 =	vmneg vm0;
	v24 =	vld.idx.msk [tilespmem:v25+s11+$0x0], $0xffff  }
0x128: {  	v32 =	vsel vm0, $0x1, v2  }
0x129: {  	v23 =	vadd.s32 v32, v23  }
0x12a: {  	vm11 =	vlt.s32 v23, $0x7FF  }
0x12b: {  	v34 =	vnsel vm11, $0x7FF, v23  }
0x12c: {  	v33 =	vand.u32 $0xFFF, v24  }
0x12d: {  	vm12 =	vlt.s32 v33, v20  }
0x12e: {  	v24 =	vshra.s32 v24, $0xC;
	v26 =	vsel vm12, v33, v20  }
0x12f: {  	v24 =	vadd.s32 v24, v26  }
0x130: {  	v35 =	vld.idx.msk [tilespmem:v34+s9+$0x0], $0xffff;
	v24 =	vsub.s32 v24, v25  }
0x131: {  	v25 =	vld.idx.msk [tilespmem:v25+s9+$0x0], $0xffff;
	_ =	sdelay $0x2  }
0x132: {  	v27 =	vld.idx.msk [tilespmem:v34+s10+$0x0], $0xffff  }
0x133: {  	v24 =	vld.idx.msk [tilespmem:v24+s10+$0x0], $0xffff  }
0x134: {  	v26 =	vsub.f32 v21, v35;
	v25 =	vsub.f32 v21, v25  }
0x135: {  	vm13 =	vgt.s32 v22, $0xFFFFFFFF  }
0x136: {  	vm14 =	vlt.s32 v23, $0x800;
	v26 =	vand.u32 $0x7FFFFFFF, v26;
	v25 =	vand.u32 $0x7FFFFFFF, v25  }
0x137: {  	v26 =	vnsel vm14, $0x7F800000, v26;
	v25 =	vnsel vm13, $0x7F800000, v25  }
0x138: {  	vm0 =	veq.f32 v25, v26;
	vm15 =	vlt.s32 v24, v27  }
0x139: {  	vm4 =	vlt.f32 v25, v26;
	vm0 =	vmand vm15, vm0  }
0x13a: {  	vm0 =	vmor vm4, vm0  }
0x13b: {  	v36 =	vsel vm0, $0xFFFFFFFF, v2  }
0x13c: {  	v22 =	vadd.s32 v36, v22  }
0x13d: {  	vm5 =	vgt.s32 v22, $0x0  }
0x13e: {  	v25 =	vnsel vm5, $0x0, v22;
	_ =	sdelay $0x2  }
0x13f: {  	v24 =	vsel vm0, v24, v27  }
0x140: {  	[tilespmem:v12+s12+$0x0] =	vst.idx.msk $0xffff, v24  }
0x141: {  	vm0 =	vmneg vm0;
	v24 =	vld.idx.msk [tilespmem:v25+s11+$0x0], $0xffff  }
0x142: {  	v37 =	vsel vm0, $0x1, v2  }
0x143: {  	v23 =	vadd.s32 v37, v23  }
0x144: {  	vm6 =	vlt.s32 v23, $0x7FF  }
0x145: {  	v39 =	vnsel vm6, $0x7FF, v23  }
0x146: {  	v38 =	vand.u32 $0xFFF, v24  }
0x147: {  	vm7 =	vlt.s32 v38, v20  }
0x148: {  	v24 =	vshra.s32 v24, $0xC;
	v26 =	vsel vm7, v38, v20  }
0x149: {  	v24 =	vadd.s32 v24, v26  }
0x14a: {  	v40 =	vld.idx.msk [tilespmem:v39+s9+$0x0], $0xffff;
	v24 =	vsub.s32 v24, v25  }
0x14b: {  	v25 =	vld.idx.msk [tilespmem:v25+s9+$0x0], $0xffff;
	_ =	sdelay $0x2  }
0x14c: {  	v27 =	vld.idx.msk [tilespmem:v39+s10+$0x0], $0xffff  }
0x14d: {  	v24 =	vld.idx.msk [tilespmem:v24+s10+$0x0], $0xffff  }
0x14e: {  	v26 =	vsub.f32 v21, v40;
	v25 =	vsub.f32 v21, v25  }
0x14f: {  	vm8 =	vgt.s32 v22, $0xFFFFFFFF  }
0x150: {  	vm9 =	vlt.s32 v23, $0x800;
	v26 =	vand.u32 $0x7FFFFFFF, v26;
	v25 =	vand.u32 $0x7FFFFFFF, v25  }
0x151: {  	v26 =	vnsel vm9, $0x7F800000, v26;
	v25 =	vnsel vm8, $0x7F800000, v25  }
0x152: {  	vm0 =	veq.f32 v25, v26;
	vm10 =	vlt.s32 v24, v27  }
0x153: {  	vm11 =	vlt.f32 v25, v26;
	vm0 =	vmand vm10, vm0  }
0x154: {  	vm0 =	vmor vm11, vm0  }
0x155: {  	v41 =	vsel vm0, $0xFFFFFFFF, v2  }
0x156: {  	v22 =	vadd.s32 v41, v22  }
0x157: {  	vm12 =	vgt.s32 v22, $0x0  }
0x158: {  	v25 =	vnsel vm12, $0x0, v22;
	_ =	sdelay $0x2  }
0x159: {  	v24 =	vsel vm0, v24, v27  }
0x15a: {  	[tilespmem:v13+s12+$0x0] =	vst.idx.msk $0xffff, v24  }
0x15b: {  	vm0 =	vmneg vm0;
	v24 =	vld.idx.msk [tilespmem:v25+s11+$0x0], $0xffff  }
0x15c: {  	v42 =	vsel vm0, $0x1, v2  }
0x15d: {  	v23 =	vadd.s32 v42, v23  }
0x15e: {  	vm13 =	vlt.s32 v23, $0x7FF  }
0x15f: {  	v44 =	vnsel vm13, $0x7FF, v23  }
0x160: {  	v43 =	vand.u32 $0xFFF, v24  }
0x161: {  	vm14 =	vlt.s32 v43, v20  }
0x162: {  	v24 =	vshra.s32 v24, $0xC;
	v26 =	vsel vm14, v43, v20  }
0x163: {  	v24 =	vadd.s32 v24, v26  }
0x164: {  	v45 =	vld.idx.msk [tilespmem:v44+s9+$0x0], $0xffff;
	v24 =	vsub.s32 v24, v25  }
0x165: {  	v25 =	vld.idx.msk [tilespmem:v25+s9+$0x0], $0xffff;
	_ =	sdelay $0x2  }
0x166: {  	v27 =	vld.idx.msk [tilespmem:v44+s10+$0x0], $0xffff  }
0x167: {  	v24 =	vld.idx.msk [tilespmem:v24+s10+$0x0], $0xffff  }
0x168: {  	v26 =	vsub.f32 v21, v45;
	v25 =	vsub.f32 v21, v25  }
0x169: {  	vm15 =	vgt.s32 v22, $0xFFFFFFFF  }
0x16a: {  	vm4 =	vlt.s32 v23, $0x800;
	v26 =	vand.u32 $0x7FFFFFFF, v26;
	v25 =	vand.u32 $0x7FFFFFFF, v25  }
0x16b: {  	v26 =	vnsel vm4, $0x7F800000, v26;
	v25 =	vnsel vm15, $0x7F800000, v25  }
0x16c: {  	vm0 =	veq.f32 v25, v26;
	vm5 =	vlt.s32 v24, v27  }
0x16d: {  	vm6 =	vlt.f32 v25, v26;
	vm0 =	vmand vm5, vm0  }
0x16e: {  	vm0 =	vmor vm6, vm0  }
0x16f: {  	v46 =	vsel vm0, $0xFFFFFFFF, v2  }
0x170: {  	v22 =	vadd.s32 v46, v22  }
0x171: {  	vm7 =	vgt.s32 v22, $0x0  }
0x172: {  	v25 =	vnsel vm7, $0x0, v22;
	_ =	sdelay $0x2  }
0x173: {  	v24 =	vsel vm0, v24, v27  }
0x174: {  	[tilespmem:v14+s12+$0x0] =	vst.idx.msk $0xffff, v24  }
0x175: {  	vm0 =	vmneg vm0;
	v24 =	vld.idx.msk [tilespmem:v25+s11+$0x0], $0xffff  }
0x176: {  	v47 =	vsel vm0, $0x1, v2  }
0x177: {  	v23 =	vadd.s32 v47, v23  }
0x178: {  	vm8 =	vlt.s32 v23, $0x7FF  }
0x179: {  	v49 =	vnsel vm8, $0x7FF, v23  }
0x17a: {  	v48 =	vand.u32 $0xFFF, v24  }
0x17b: {  	vm9 =	vlt.s32 v48, v20  }
0x17c: {  	v24 =	vshra.s32 v24, $0xC;
	v26 =	vsel vm9, v48, v20  }
0x17d: {  	v24 =	vadd.s32 v24, v26  }
0x17e: {  	v50 =	vld.idx.msk [tilespmem:v49+s9+$0x0], $0xffff;
	v24 =	vsub.s32 v24, v25  }
0x17f: {  	v25 =	vld.idx.msk [tilespmem:v25+s9+$0x0], $0xffff;
	_ =	sdelay $0x2  }
0x180: {  	v27 =	vld.idx.msk [tilespmem:v49+s10+$0x0], $0xffff  }
0x181: {  	v24 =	vld.idx.msk [tilespmem:v24+s10+$0x0], $0xffff  }
0x182: {  	v26 =	vsub.f32 v21, v50;
	v25 =	vsub.f32 v21, v25  }
0x183: {  	vm10 =	vgt.s32 v22, $0xFFFFFFFF  }
0x184: {  	vm11 =	vlt.s32 v23, $0x800;
	v26 =	vand.u32 $0x7FFFFFFF, v26;
	v25 =	vand.u32 $0x7FFFFFFF, v25  }
0x185: {  	v26 =	vnsel vm11, $0x7F800000, v26;
	v25 =	vnsel vm10, $0x7F800000, v25  }
0x186: {  	vm0 =	veq.f32 v25, v26;
	vm12 =	vlt.s32 v24, v27  }
0x187: {  	vm13 =	vlt.f32 v25, v26;
	vm0 =	vmand vm12, vm0  }
0x188: {  	vm0 =	vmor vm13, vm0  }
0x189: {  	v51 =	vsel vm0, $0xFFFFFFFF, v2  }
0x18a: {  	v22 =	vadd.s32 v51, v22  }
0x18b: {  	vm14 =	vgt.s32 v22, $0x0  }
0x18c: {  	v25 =	vnsel vm14, $0x0, v22;
	_ =	sdelay $0x2  }
0x18d: {  	v24 =	vsel vm0, v24, v27  }
0x18e: {  	[tilespmem:v15+s12+$0x0] =	vst.idx.msk $0xffff, v24  }
0x18f: {  	vm0 =	vmneg vm0;
	v24 =	vld.idx.msk [tilespmem:v25+s11+$0x0], $0xffff  }
0x190: {  	v52 =	vsel vm0, $0x1, v2  }
0x191: {  	v23 =	vadd.s32 v52, v23  }
0x192: {  	vm15 =	vlt.s32 v23, $0x7FF  }
0x193: {  	v54 =	vnsel vm15, $0x7FF, v23  }
0x194: {  	v53 =	vand.u32 $0xFFF, v24  }
0x195: {  	vm4 =	vlt.s32 v53, v20  }
0x196: {  	v24 =	vshra.s32 v24, $0xC;
	v26 =	vsel vm4, v53, v20  }
0x197: {  	v24 =	vadd.s32 v24, v26  }
0x198: {  	v55 =	vld.idx.msk [tilespmem:v54+s9+$0x0], $0xffff;
	v24 =	vsub.s32 v24, v25  }
0x199: {  	v25 =	vld.idx.msk [tilespmem:v25+s9+$0x0], $0xffff;
	_ =	sdelay $0x2  }
0x19a: {  	v27 =	vld.idx.msk [tilespmem:v54+s10+$0x0], $0xffff  }
0x19b: {  	v24 =	vld.idx.msk [tilespmem:v24+s10+$0x0], $0xffff  }
0x19c: {  	v26 =	vsub.f32 v21, v55;
	v25 =	vsub.f32 v21, v25  }
0x19d: {  	vm5 =	vgt.s32 v22, $0xFFFFFFFF  }
0x19e: {  	vm6 =	vlt.s32 v23, $0x800;
	v26 =	vand.u32 $0x7FFFFFFF, v26;
	v25 =	vand.u32 $0x7FFFFFFF, v25  }
0x19f: {  	v26 =	vnsel vm6, $0x7F800000, v26;
	v25 =	vnsel vm5, $0x7F800000, v25  }
0x1a0: {  	vm0 =	veq.f32 v25, v26;
	vm7 =	vlt.s32 v24, v27  }
0x1a1: {  	vm8 =	vlt.f32 v25, v26;
	vm0 =	vmand vm7, vm0  }
0x1a2: {  	vm0 =	vmor vm8, vm0  }
0x1a3: {  	v56 =	vsel vm0, $0xFFFFFFFF, v2  }
0x1a4: {  	v22 =	vadd.s32 v56, v22  }
0x1a5: {  	vm9 =	vgt.s32 v22, $0x0  }
0x1a6: {  	v25 =	vnsel vm9, $0x0, v22;
	_ =	sdelay $0x2  }
0x1a7: {  	v24 =	vsel vm0, v24, v27  }
0x1a8: {  	[tilespmem:v16+s12+$0x0] =	vst.idx.msk $0xffff, v24  }
0x1a9: {  	v24 =	vld.idx.msk [tilespmem:v25+s11+$0x0], $0xffff  }
0x1aa: {  	vm0 =	vmneg vm0  }
0x1ab: {  	v57 =	vsel vm0, $0x1, v2  }
0x1ac: {  	v23 =	vadd.s32 v57, v23  }
0x1ad: {  	vm10 =	vlt.s32 v23, $0x7FF  }
0x1ae: {  	v59 =	vnsel vm10, $0x7FF, v23;
	v58 =	vand.u32 $0xFFF, v24  }
0x1af: {  	vm11 =	vlt.s32 v58, v20  }
0x1b0: {  	v24 =	vshra.s32 v24, $0xC;
	v20 =	vsel vm11, v58, v20  }
0x1b1: {  	v20 =	vadd.s32 v24, v20  }
0x1b2: {  	v60 =	vld.idx.msk [tilespmem:v25+s9+$0x0], $0xffff;
	v20 =	vsub.s32 v20, v25  }
0x1b3: {  	v61 =	vld.idx.msk [tilespmem:v59+s9+$0x0], $0xffff;
	_ =	sdelay $0x2  }
0x1b4: {  	v62 =	vld.idx.msk [tilespmem:v59+s10+$0x0], $0xffff  }
0x1b5: {  	v20 =	vld.idx.msk [tilespmem:v20+s10+$0x0], $0xffff  }
0x1b6: {  	v24 =	vsub.f32 v21, v60;
	v21 =	vsub.f32 v21, v61  }
0x1b7: {  	vm12 =	vgt.s32 v22, $0xFFFFFFFF  }
0x1b8: {  	vm13 =	vlt.s32 v23, $0x800;
	v63 =	vand.u32 $0x7FFFFFFF, v24;
	v21 =	vand.u32 $0x7FFFFFFF, v21  }
0x1b9: {  	v22 =	vnsel vm12, $0x7F800000, v63;
	v21 =	vnsel vm13, $0x7F800000, v21  }
0x1ba: {  	vm0 =	veq.f32 v22, v21;
	vm14 =	vlt.s32 v20, v62  }
0x1bb: {  	vm15 =	vlt.f32 v22, v21;
	vm0 =	vmand vm14, vm0  }
0x1bc: {  	vm0 =	vmor vm15, vm0  }
0x1bd: {  	p0 =	sne.s32 s14, $0x3C0;
	v20 =	vsel vm0, v20, v62  }
.Ltmp1:
0x1be: {  	[tilespmem:v17+s12+$0x0] =	vst.idx.msk $0xffff, v20;
	(pc) =	sbr.rel @p0 .LBB2_4-.Ltmp1, $4  }
0x1bf: {  	[hbm4b:s15+s2] =	stream.linear.scatter [tilespmem:s12], [sflag:$0x1], $0x100, $0x38;
	[tilespmem:$0x3100] =	vst v63  }
0x1c0: {  	_ =	swait.ge [sflag:s8], $0x100  }
0x1c1: {  	[sflag:s8] =	ssyncset.done $0x0  }
0x1c2: {  	s14 =	sadd.s32 $0x40, s14;
	s15 =	sadd.s32 $0x20, s15;
	[sflag:s8] =	ssyncadd.s32 $0xFFFFFF00  }
0x1c3: {  	s13 =	sadd.s32 $0x1, s13  }
0x1c4: {  	p0 =	sne.s32 s13, s6  }
.Ltmp2:
0x1c5: {  	_ = 	snop;
	(pc) =	sbr.rel @p0 .LBB2_1-.Ltmp2, $1  }
0x1c6: {  	_ =	sdelay $0x3  }
0x1c7: {  	_ =	sfence.sel $0x180000  }
0x1c8: {  	[bflag:$0x0] =	sbarrier.arrive $0xFFFF  }
0x1c9: {  	p0 =	sne.s32 s1, $0x0;
	_ =	strace $0x90000047  }
0x1ca: {  	s0 =	sadd.s32 @!p0 $0x100000, s0;
	[bflag:$0x2] =	sbarrier.arrive $0xFFFF  }
0x1cb: {  	[sflag:s0] =	ssyncadd.tile.s32 @!p0 $0x1;
	_ =	shalt  }
.Lfunc_end2:
_tile_overlayer_lowered:
.L_overlay_start_2:
0x1cc: {  	(tag) =	ssettag $0x2  }
0x1cd: {  	s0 =	rddreg [dreg:$0x0];
	s2 =	stileid.u32  }
0x1ce: {  	s1 =	rddreg [dreg:$0x1];
	p0 =	sne.s32 s2, $0x0  }
0x1cf: {  	s3 =	rddreg [dreg:$0x2];
	[bflag:$0x3] =	sbarrier.arrive $0xFFFF;
	s2 =	simm.s32 @!p0 $0x1C01  }
0x1d0: {  	[timem:s3], [sflag:s2] =	dma.local @!p0 [hbm:s0], s1  }
0x1d1: {  	s0 =	simm.s32 @!p0 $0x1  }
0x1d2: {  	_ =	swait.ge @!p0 [sflag:s0], s1  }
0x1d3: {  	s1 =	ssub.s32 @!p0 $0x0, s1;
	[sflag:s0] =	ssyncset.done @!p0 $0x0  }
0x1d4: {  	[sflag:s0] =	ssyncadd.s32 @!p0 s1  }
0x1d5: {  	[bflag:$0x3] =	sbarrier.arrive $0xFFFF  }
0x1d6: {  	_ =	shalt  }

</sc_bundles>
